<compile_context>
chip_gen: v7x
topology: tpu7x:2x2x1
jax: 0.10.2.dev20260603
libtpu: 0.0.44.dev20260713+nightly
codegen_flags: <defaults>
</compile_context>

<pallas_src>
import jax
import jax.numpy as jnp
from jax import lax
from jax.experimental import pallas as pl
from jax.experimental.pallas import tpu as pltpu
from jax.experimental.pallas import tpu_sc as plsc

_NUM_CORES = 2
_NUM_SUBCORES = 16
_NUM_WORKERS = _NUM_CORES * _NUM_SUBCORES
_LANES = 16

_SIZE = 8388608
_CHUNK = 8192
_PER_W = _SIZE // _NUM_WORKERS
_CHUNKS_PER_W = _PER_W // _CHUNK
_NBUF = 4


def _lerp_body(left16, dist16, const_hbm, out_hbm,
               lv, dv, in0, in1, in2, in3, ob0, ob1, ob2, ob3,
               gsem0, gsem1, gsem2, gsem3, ssem0, ssem1, ssem2, ssem3):
    c = lax.axis_index("c")
    s = lax.axis_index("s")
    w = s * _NUM_CORES + c

    in_bufs = (in0, in1, in2, in3)
    out_bufs = (ob0, ob1, ob2, ob3)
    gsems = (gsem0, gsem1, gsem2, gsem3)
    ssems = (ssem0, ssem1, ssem2, ssem3)

    pltpu.sync_copy(left16, lv)
    pltpu.sync_copy(dist16, dv)
    dist = dv[...]
    omd = 1.0 - dist

    lrow = lv[...][0]
    cbase = w * _PER_W
    obase = w * _PER_W

    rrow = lrow + 1

    def _gpair(k, b):
        ib = in_bufs[b]
        col = pl.ds(cbase + k * _CHUNK, _CHUNK)
        return (
            pltpu.make_async_copy(const_hbm.at[lrow, col], ib.at[0], gsems[b]),
            pltpu.make_async_copy(const_hbm.at[rrow, col], ib.at[1], gsems[b]),
        )

    class _Gather:
        def __init__(self, k, b):
            self._k, self._b = k, b

        def start(self):
            gl, gr = _gpair(self._k, self._b)
            gl.start()
            gr.start()

        def wait(self):
            gl, gr = _gpair(self._k, self._b)
            gl.wait()
            gr.wait()

    def gather(k, b):
        return _Gather(k, b)

    def scatter(k, b):
        return pltpu.make_async_copy(
            out_bufs[b], out_hbm.at[pl.ds(obase + k * _CHUNK, _CHUNK)],
            ssems[b])

    for b in range(_NBUF):
        gather(b, b).start()

    @pl.loop(0, _CHUNKS_PER_W, step=_NBUF)
    def _(k0):
        for b in range(_NBUF):
            k = k0 + b
            gather(k, b).wait()

            @pl.when(k >= _NBUF)
            def _():
                scatter(k - _NBUF, b).wait()

            ib = in_bufs[b]
            obuf = out_bufs[b]

            @plsc.parallel_loop(0, _CHUNK // _LANES, unroll=8)
            def _(j):
                l = ib[0, pl.ds(j * _LANES, _LANES)]
                r = ib[1, pl.ds(j * _LANES, _LANES)]
                obuf[pl.ds(j * _LANES, _LANES)] = l * dist + r * omd

            @pl.when(k + _NBUF < _CHUNKS_PER_W)
            def _():
                gather(k + _NBUF, b).start()

            scatter(k, b).start()

    for b in range(_NBUF):
        scatter(_CHUNKS_PER_W - _NBUF + b, b).wait()


def kernel(lam, const, pivots):
    kernel_num = const.shape[0]
    lam_ = lam * 0.99999
    left = jnp.floor(lam_ * (kernel_num - 1)).astype(jnp.int32)
    right = left + 1
    idx = jnp.arange(kernel_num, dtype=jnp.int32)
    piv_l = jnp.sum(jnp.where(idx == left, pivots, 0.0))
    piv_r = jnp.sum(jnp.where(idx == right, pivots, 0.0))
    dist = (piv_r - lam_) / (piv_r - piv_l)

    left16 = jnp.full((_LANES,), left, dtype=jnp.int32)
    dist16 = jnp.full((_LANES,), dist, dtype=jnp.float32)

    mesh = plsc.VectorSubcoreMesh(core_axis_name="c", subcore_axis_name="s")
    f = pl.kernel(
        _lerp_body,
        out_type=jax.ShapeDtypeStruct((_SIZE,), jnp.float32),
        mesh=mesh,
        scratch_types=[
            pltpu.VMEM((_LANES,), jnp.int32),
            pltpu.VMEM((_LANES,), jnp.float32),
            pltpu.VMEM((2, _CHUNK), jnp.float32),
            pltpu.VMEM((2, _CHUNK), jnp.float32),
            pltpu.VMEM((2, _CHUNK), jnp.float32),
            pltpu.VMEM((2, _CHUNK), jnp.float32),
            pltpu.VMEM((_CHUNK,), jnp.float32),
            pltpu.VMEM((_CHUNK,), jnp.float32),
            pltpu.VMEM((_CHUNK,), jnp.float32),
            pltpu.VMEM((_CHUNK,), jnp.float32),
            pltpu.SemaphoreType.DMA,
            pltpu.SemaphoreType.DMA,
            pltpu.SemaphoreType.DMA,
            pltpu.SemaphoreType.DMA,
            pltpu.SemaphoreType.DMA,
            pltpu.SemaphoreType.DMA,
            pltpu.SemaphoreType.DMA,
            pltpu.SemaphoreType.DMA,
        ],
    )
    return f(left16, dist16, const)

# --- scband reference (transcript-rebuilt; emitter-appended) ---
"""Pipeline reference for scband-pwnet-51634096833347 (READ-ONLY COPY).

The authoritative reference and input builder live on the scoring server;
editing this copy changes nothing except your own understanding.
"""

import jax, jax.numpy as jnp
import numpy as np

KERNEL_NUM = 8
SIZE = 8388608  # 2048*4096 flattened hypernet parameter vector

def setup_inputs(seed: int = 0) -> dict:
    key = jax.random.key(seed)
    k1, k2 = jax.random.split(key)
    lam = jax.random.uniform(k1, (), dtype=jnp.float32)
    # learned parameters: const[kernel_num, size], pivots[kernel_num]
    const = jax.random.normal(k2, (KERNEL_NUM, SIZE), dtype=jnp.float32)
    pivots = jnp.linspace(0.0, 1.0, KERNEL_NUM).astype(jnp.float32)
    return {"lam": lam, "const": const, "pivots": pivots}

def reference(lam, const, pivots):
    kernel_num = const.shape[0]
    lam_ = lam * 0.99999
    left = jnp.floor(lam_ * (kernel_num - 1)).astype(jnp.int32)
    right = left + 1
    dist = (pivots[right] - lam_) / (pivots[right] - pivots[left])
    res = const[left] * dist + (1.0 - dist) * const[right]
    return res

if __name__ == "__main__":
    import jax
    _d = setup_inputs()
    print(jax.jit(kernel)(*tuple(_d.values())))

</pallas_src>

<mosaic_0001>
#map = affine_map<(d0, d1) -> (0)>
#map1 = affine_map<(d0, d1) -> (0, 0)>
module attributes {stable_mosaic.version = 14 : i64} {
  func.func @_lerp_body(%arg0: i32, %arg1: i32, %arg2: memref<16xi32, #tpu.memory_space<hbm>>, %arg3: memref<16xf32, #tpu.memory_space<hbm>>, %arg4: memref<8x8388608xf32, #tpu.memory_space<hbm>>, %arg5: memref<8388608xf32, #tpu.memory_space<hbm>>, %arg6: memref<16xi32, #tpu.memory_space<vmem>>, %arg7: memref<16xf32, #tpu.memory_space<vmem>>, %arg8: memref<2x8192xf32, #tpu.memory_space<vmem>>, %arg9: memref<2x8192xf32, #tpu.memory_space<vmem>>, %arg10: memref<2x8192xf32, #tpu.memory_space<vmem>>, %arg11: memref<2x8192xf32, #tpu.memory_space<vmem>>, %arg12: memref<8192xf32, #tpu.memory_space<vmem>>, %arg13: memref<8192xf32, #tpu.memory_space<vmem>>, %arg14: memref<8192xf32, #tpu.memory_space<vmem>>, %arg15: memref<8192xf32, #tpu.memory_space<vmem>>, %arg16: memref<!tpu.dma_semaphore, #tpu.memory_space<semaphore_mem>>, %arg17: memref<!tpu.dma_semaphore, #tpu.memory_space<semaphore_mem>>, %arg18: memref<!tpu.dma_semaphore, #tpu.memory_space<semaphore_mem>>, %arg19: memref<!tpu.dma_semaphore, #tpu.memory_space<semaphore_mem>>, %arg20: memref<!tpu.dma_semaphore, #tpu.memory_space<semaphore_mem>>, %arg21: memref<!tpu.dma_semaphore, #tpu.memory_space<semaphore_mem>>, %arg22: memref<!tpu.dma_semaphore, #tpu.memory_space<semaphore_mem>>, %arg23: memref<!tpu.dma_semaphore, #tpu.memory_space<semaphore_mem>>) attributes {dimension_semantics = [#tpu.dimension_semantics<core_parallel>, #tpu.dimension_semantics<subcore_parallel>], iteration_bounds = array<i64: 2, 16>, scalar_prefetch = 0 : i64, scratch_operands = 18 : i64, tpu.core_type = #tpu.core_type<sc_vector_subcore>, window_params = [{transform_indices = #map}, {transform_indices = #map}, {transform_indices = #map1}, {transform_indices = #map}]} {
    %mul3A = arith.constant 2 : i32
    %mul3A_0 = arith.muli %arg1, %mul3A : i32
    %add3A = arith.addi %mul3A_0, %arg0 : i32
    "tpu.region"() ({
      %run_scoped3A = tpu.sem_alloc : memref<!tpu.dma_semaphore, #tpu.memory_space<semaphore_mem>>
      tpu.enqueue_dma source(%arg2 : memref<16xi32, #tpu.memory_space<hbm>>) target(%arg6 : memref<16xi32, #tpu.memory_space<vmem>>) target_semaphore(%run_scoped3A : memref<!tpu.dma_semaphore, #tpu.memory_space<semaphore_mem>>)
      tpu.wait_dma2 semaphore(%run_scoped3A : memref<!tpu.dma_semaphore, #tpu.memory_space<semaphore_mem>>) src(%arg2 : memref<16xi32, #tpu.memory_space<hbm>>) dst(%arg6 : memref<16xi32, #tpu.memory_space<vmem>>)
      tpu.yield
    }) : () -> ()
    "tpu.region"() ({
      %run_scoped3A = tpu.sem_alloc : memref<!tpu.dma_semaphore, #tpu.memory_space<semaphore_mem>>
      tpu.enqueue_dma source(%arg3 : memref<16xf32, #tpu.memory_space<hbm>>) target(%arg7 : memref<16xf32, #tpu.memory_space<vmem>>) target_semaphore(%run_scoped3A : memref<!tpu.dma_semaphore, #tpu.memory_space<semaphore_mem>>)
      tpu.wait_dma2 semaphore(%run_scoped3A : memref<!tpu.dma_semaphore, #tpu.memory_space<semaphore_mem>>) src(%arg3 : memref<16xf32, #tpu.memory_space<hbm>>) dst(%arg7 : memref<16xf32, #tpu.memory_space<vmem>>)
      tpu.yield
    }) : () -> ()
    %get3A = arith.constant 0 : index
    %get3A_1 = tpu.vector_load %arg7[%get3A] {strides = array<i32>} : memref<16xf32, #tpu.memory_space<vmem>>, vector<16xf32>,
    %get3A_2 = vector.shape_cast %get3A_1 : vector<16xf32> to vector<16xf32>
    %sub3A = arith.constant 1.000000e+00 : f32
    %sub3A_3 = vector.broadcast %sub3A : f32 to vector<16xf32>
    %sub3A_4 = arith.subf %sub3A_3, %get3A_2 : vector<16xf32>
    %get3A_5 = arith.constant 0 : index
    %get3A_6 = tpu.vector_load %arg6[%get3A_5] {strides = array<i32>} : memref<16xi32, #tpu.memory_space<vmem>>, vector<16xi32>,
    %get3A_7 = vector.shape_cast %get3A_6 : vector<16xi32> to vector<16xi32>
    %slice3A = vector.extract_strided_slice %get3A_7 {offsets = [0], sizes = [1], strides = [1]} : vector<16xi32> to vector<1xi32>
    %squeeze3A = vector.extract %slice3A[0] : i32 from vector<1xi32>
    %mul3A_8 = arith.constant 262144 : i32
    %mul3A_9 = arith.muli %add3A, %mul3A_8 : i32
    %mul3A_10 = arith.constant 262144 : i32
    %mul3A_11 = arith.muli %add3A, %mul3A_10 : i32
    %add3A_12 = arith.constant 1 : i32
    %add3A_13 = arith.addi %squeeze3A, %add3A_12 : i32
    %add3A_14 = arith.constant 0 : i32
    %add3A_15 = arith.addi %mul3A_9, %add3A_14 : i32
    %dma_start3A = arith.constant 0 : i32
    %dma_start3A_16 = arith.constant 0 : i32
    %dma_start3A_17 = tpu.memref_slice %arg8[%dma_start3A, %dma_start3A_16] : memref<2x8192xf32, #tpu.memory_space<vmem>> -> memref<1x8192xf32, #tpu.memory_space<vmem>>
    %dma_start3A_18 = tpu.memref_squeeze %dma_start3A_17 : memref<1x8192xf32, #tpu.memory_space<vmem>> -> memref<8192xf32, #tpu.memory_space<vmem>>
    %dma_start3A_19 = tpu.memref_slice %arg4[%squeeze3A, %add3A_15] : memref<8x8388608xf32, #tpu.memory_space<hbm>> -> memref<1x8192xf32, #tpu.memory_space<hbm>>
    %dma_start3A_20 = tpu.memref_squeeze %dma_start3A_19 : memref<1x8192xf32, #tpu.memory_space<hbm>> -> memref<8192xf32, #tpu.memory_space<hbm>>
    %dma_start3A_21 = arith.constant 0 : i32
    %dma_start3A_22 = tpu.memref_slice %arg8[%dma_start3A, %dma_start3A_21] : memref<2x8192xf32, #tpu.memory_space<vmem>> -> memref<1x8192xf32, #tpu.memory_space<vmem>>
    %dma_start3A_23 = tpu.memref_squeeze %dma_start3A_22 : memref<1x8192xf32, #tpu.memory_space<vmem>> -> memref<8192xf32, #tpu.memory_space<vmem>>
    %dma_start3A_24 = tpu.memref_slice %arg4[%squeeze3A, %add3A_15] : memref<8x8388608xf32, #tpu.memory_space<hbm>> -> memref<1x8192xf32, #tpu.memory_space<hbm>>
    %dma_start3A_25 = tpu.memref_squeeze %dma_start3A_24 : memref<1x8192xf32, #tpu.memory_space<hbm>> -> memref<8192xf32, #tpu.memory_space<hbm>>
    tpu.enqueue_dma source(%dma_start3A_25 : memref<8192xf32, #tpu.memory_space<hbm>>) target(%dma_start3A_23 : memref<8192xf32, #tpu.memory_space<vmem>>) target_semaphore(%arg16 : memref<!tpu.dma_semaphore, #tpu.memory_space<semaphore_mem>>)
    %dma_start3A_26 = arith.constant 1 : i32
    %dma_start3A_27 = arith.constant 0 : i32
    %dma_start3A_28 = tpu.memref_slice %arg8[%dma_start3A_26, %dma_start3A_27] : memref<2x8192xf32, #tpu.memory_space<vmem>> -> memref<1x8192xf32, #tpu.memory_space<vmem>>
    %dma_start3A_29 = tpu.memref_squeeze %dma_start3A_28 : memref<1x8192xf32, #tpu.memory_space<vmem>> -> memref<8192xf32, #tpu.memory_space<vmem>>
    %dma_start3A_30 = tpu.memref_slice %arg4[%add3A_13, %add3A_15] : memref<8x8388608xf32, #tpu.memory_space<hbm>> -> memref<1x8192xf32, #tpu.memory_space<hbm>>
    %dma_start3A_31 = tpu.memref_squeeze %dma_start3A_30 : memref<1x8192xf32, #tpu.memory_space<hbm>> -> memref<8192xf32, #tpu.memory_space<hbm>>
    %dma_start3A_32 = arith.constant 0 : i32
    %dma_start3A_33 = tpu.memref_slice %arg8[%dma_start3A_26, %dma_start3A_32] : memref<2x8192xf32, #tpu.memory_space<vmem>> -> memref<1x8192xf32, #tpu.memory_space<vmem>>
    %dma_start3A_34 = tpu.memref_squeeze %dma_start3A_33 : memref<1x8192xf32, #tpu.memory_space<vmem>> -> memref<8192xf32, #tpu.memory_space<vmem>>
    %dma_start3A_35 = tpu.memref_slice %arg4[%add3A_13, %add3A_15] : memref<8x8388608xf32, #tpu.memory_space<hbm>> -> memref<1x8192xf32, #tpu.memory_space<hbm>>
    %dma_start3A_36 = tpu.memref_squeeze %dma_start3A_35 : memref<1x8192xf32, #tpu.memory_space<hbm>> -> memref<8192xf32, #tpu.memory_space<hbm>>
    tpu.enqueue_dma source(%dma_start3A_36 : memref<8192xf32, #tpu.memory_space<hbm>>) target(%dma_start3A_34 : memref<8192xf32, #tpu.memory_space<vmem>>) target_semaphore(%arg16 : memref<!tpu.dma_semaphore, #tpu.memory_space<semaphore_mem>>)
    %add3A_37 = arith.constant 8192 : i32
    %add3A_38 = arith.addi %mul3A_9, %add3A_37 : i32
    %dma_start3A_39 = arith.constant 0 : i32
    %dma_start3A_40 = arith.constant 0 : i32
    %dma_start3A_41 = tpu.memref_slice %arg9[%dma_start3A_39, %dma_start3A_40] : memref<2x8192xf32, #tpu.memory_space<vmem>> -> memref<1x8192xf32, #tpu.memory_space<vmem>>
    %dma_start3A_42 = tpu.memref_squeeze %dma_start3A_41 : memref<1x8192xf32, #tpu.memory_space<vmem>> -> memref<8192xf32, #tpu.memory_space<vmem>>
    %dma_start3A_43 = tpu.memref_slice %arg4[%squeeze3A, %add3A_38] : memref<8x8388608xf32, #tpu.memory_space<hbm>> -> memref<1x8192xf32, #tpu.memory_space<hbm>>
    %dma_start3A_44 = tpu.memref_squeeze %dma_start3A_43 : memref<1x8192xf32, #tpu.memory_space<hbm>> -> memref<8192xf32, #tpu.memory_space<hbm>>
    %dma_start3A_45 = arith.constant 0 : i32
    %dma_start3A_46 = tpu.memref_slice %arg9[%dma_start3A_39, %dma_start3A_45] : memref<2x8192xf32, #tpu.memory_space<vmem>> -> memref<1x8192xf32, #tpu.memory_space<vmem>>
    %dma_start3A_47 = tpu.memref_squeeze %dma_start3A_46 : memref<1x8192xf32, #tpu.memory_space<vmem>> -> memref<8192xf32, #tpu.memory_space<vmem>>
    %dma_start3A_48 = tpu.memref_slice %arg4[%squeeze3A, %add3A_38] : memref<8x8388608xf32, #tpu.memory_space<hbm>> -> memref<1x8192xf32, #tpu.memory_space<hbm>>
    %dma_start3A_49 = tpu.memref_squeeze %dma_start3A_48 : memref<1x8192xf32, #tpu.memory_space<hbm>> -> memref<8192xf32, #tpu.memory_space<hbm>>
    tpu.enqueue_dma source(%dma_start3A_49 : memref<8192xf32, #tpu.memory_space<hbm>>) target(%dma_start3A_47 : memref<8192xf32, #tpu.memory_space<vmem>>) target_semaphore(%arg17 : memref<!tpu.dma_semaphore, #tpu.memory_space<semaphore_mem>>)
    %dma_start3A_50 = arith.constant 1 : i32
    %dma_start3A_51 = arith.constant 0 : i32
    %dma_start3A_52 = tpu.memref_slice %arg9[%dma_start3A_50, %dma_start3A_51] : memref<2x8192xf32, #tpu.memory_space<vmem>> -> memref<1x8192xf32, #tpu.memory_space<vmem>>
    %dma_start3A_53 = tpu.memref_squeeze %dma_start3A_52 : memref<1x8192xf32, #tpu.memory_space<vmem>> -> memref<8192xf32, #tpu.memory_space<vmem>>
    %dma_start3A_54 = tpu.memref_slice %arg4[%add3A_13, %add3A_38] : memref<8x8388608xf32, #tpu.memory_space<hbm>> -> memref<1x8192xf32, #tpu.memory_space<hbm>>
    %dma_start3A_55 = tpu.memref_squeeze %dma_start3A_54 : memref<1x8192xf32, #tpu.memory_space<hbm>> -> memref<8192xf32, #tpu.memory_space<hbm>>
    %dma_start3A_56 = arith.constant 0 : i32
    %dma_start3A_57 = tpu.memref_slice %arg9[%dma_start3A_50, %dma_start3A_56] : memref<2x8192xf32, #tpu.memory_space<vmem>> -> memref<1x8192xf32, #tpu.memory_space<vmem>>
    %dma_start3A_58 = tpu.memref_squeeze %dma_start3A_57 : memref<1x8192xf32, #tpu.memory_space<vmem>> -> memref<8192xf32, #tpu.memory_space<vmem>>
    %dma_start3A_59 = tpu.memref_slice %arg4[%add3A_13, %add3A_38] : memref<8x8388608xf32, #tpu.memory_space<hbm>> -> memref<1x8192xf32, #tpu.memory_space<hbm>>
    %dma_start3A_60 = tpu.memref_squeeze %dma_start3A_59 : memref<1x8192xf32, #tpu.memory_space<hbm>> -> memref<8192xf32, #tpu.memory_space<hbm>>
    tpu.enqueue_dma source(%dma_start3A_60 : memref<8192xf32, #tpu.memory_space<hbm>>) target(%dma_start3A_58 : memref<8192xf32, #tpu.memory_space<vmem>>) target_semaphore(%arg17 : memref<!tpu.dma_semaphore, #tpu.memory_space<semaphore_mem>>)
    %add3A_61 = arith.constant 16384 : i32
    %add3A_62 = arith.addi %mul3A_9, %add3A_61 : i32
    %dma_start3A_63 = arith.constant 0 : i32
    %dma_start3A_64 = arith.constant 0 : i32
    %dma_start3A_65 = tpu.memref_slice %arg10[%dma_start3A_63, %dma_start3A_64] : memref<2x8192xf32, #tpu.memory_space<vmem>> -> memref<1x8192xf32, #tpu.memory_space<vmem>>
    %dma_start3A_66 = tpu.memref_squeeze %dma_start3A_65 : memref<1x8192xf32, #tpu.memory_space<vmem>> -> memref<8192xf32, #tpu.memory_space<vmem>>
    %dma_start3A_67 = tpu.memref_slice %arg4[%squeeze3A, %add3A_62] : memref<8x8388608xf32, #tpu.memory_space<hbm>> -> memref<1x8192xf32, #tpu.memory_space<hbm>>
    %dma_start3A_68 = tpu.memref_squeeze %dma_start3A_67 : memref<1x8192xf32, #tpu.memory_space<hbm>> -> memref<8192xf32, #tpu.memory_space<hbm>>
    %dma_start3A_69 = arith.constant 0 : i32
    %dma_start3A_70 = tpu.memref_slice %arg10[%dma_start3A_63, %dma_start3A_69] : memref<2x8192xf32, #tpu.memory_space<vmem>> -> memref<1x8192xf32, #tpu.memory_space<vmem>>
    %dma_start3A_71 = tpu.memref_squeeze %dma_start3A_70 : memref<1x8192xf32, #tpu.memory_space<vmem>> -> memref<8192xf32, #tpu.memory_space<vmem>>
    %dma_start3A_72 = tpu.memref_slice %arg4[%squeeze3A, %add3A_62] : memref<8x8388608xf32, #tpu.memory_space<hbm>> -> memref<1x8192xf32, #tpu.memory_space<hbm>>
    %dma_start3A_73 = tpu.memref_squeeze %dma_start3A_72 : memref<1x8192xf32, #tpu.memory_space<hbm>> -> memref<8192xf32, #tpu.memory_space<hbm>>
    tpu.enqueue_dma source(%dma_start3A_73 : memref<8192xf32, #tpu.memory_space<hbm>>) target(%dma_start3A_71 : memref<8192xf32, #tpu.memory_space<vmem>>) target_semaphore(%arg18 : memref<!tpu.dma_semaphore, #tpu.memory_space<semaphore_mem>>)
    %dma_start3A_74 = arith.constant 1 : i32
    %dma_start3A_75 = arith.constant 0 : i32
    %dma_start3A_76 = tpu.memref_slice %arg10[%dma_start3A_74, %dma_start3A_75] : memref<2x8192xf32, #tpu.memory_space<vmem>> -> memref<1x8192xf32, #tpu.memory_space<vmem>>
    %dma_start3A_77 = tpu.memref_squeeze %dma_start3A_76 : memref<1x8192xf32, #tpu.memory_space<vmem>> -> memref<8192xf32, #tpu.memory_space<vmem>>
    %dma_start3A_78 = tpu.memref_slice %arg4[%add3A_13, %add3A_62] : memref<8x8388608xf32, #tpu.memory_space<hbm>> -> memref<1x8192xf32, #tpu.memory_space<hbm>>
    %dma_start3A_79 = tpu.memref_squeeze %dma_start3A_78 : memref<1x8192xf32, #tpu.memory_space<hbm>> -> memref<8192xf32, #tpu.memory_space<hbm>>
    %dma_start3A_80 = arith.constant 0 : i32
    %dma_start3A_81 = tpu.memref_slice %arg10[%dma_start3A_74, %dma_start3A_80] : memref<2x8192xf32, #tpu.memory_space<vmem>> -> memref<1x8192xf32, #tpu.memory_space<vmem>>
    %dma_start3A_82 = tpu.memref_squeeze %dma_start3A_81 : memref<1x8192xf32, #tpu.memory_space<vmem>> -> memref<8192xf32, #tpu.memory_space<vmem>>
    %dma_start3A_83 = tpu.memref_slice %arg4[%add3A_13, %add3A_62] : memref<8x8388608xf32, #tpu.memory_space<hbm>> -> memref<1x8192xf32, #tpu.memory_space<hbm>>
    %dma_start3A_84 = tpu.memref_squeeze %dma_start3A_83 : memref<1x8192xf32, #tpu.memory_space<hbm>> -> memref<8192xf32, #tpu.memory_space<hbm>>
    tpu.enqueue_dma source(%dma_start3A_84 : memref<8192xf32, #tpu.memory_space<hbm>>) target(%dma_start3A_82 : memref<8192xf32, #tpu.memory_space<vmem>>) target_semaphore(%arg18 : memref<!tpu.dma_semaphore, #tpu.memory_space<semaphore_mem>>)
    %add3A_85 = arith.constant 24576 : i32
    %add3A_86 = arith.addi %mul3A_9, %add3A_85 : i32
    %dma_start3A_87 = arith.constant 0 : i32
    %dma_start3A_88 = arith.constant 0 : i32
    %dma_start3A_89 = tpu.memref_slice %arg11[%dma_start3A_87, %dma_start3A_88] : memref<2x8192xf32, #tpu.memory_space<vmem>> -> memref<1x8192xf32, #tpu.memory_space<vmem>>
    %dma_start3A_90 = tpu.memref_squeeze %dma_start3A_89 : memref<1x8192xf32, #tpu.memory_space<vmem>> -> memref<8192xf32, #tpu.memory_space<vmem>>
    %dma_start3A_91 = tpu.memref_slice %arg4[%squeeze3A, %add3A_86] : memref<8x8388608xf32, #tpu.memory_space<hbm>> -> memref<1x8192xf32, #tpu.memory_space<hbm>>
    %dma_start3A_92 = tpu.memref_squeeze %dma_start3A_91 : memref<1x8192xf32, #tpu.memory_space<hbm>> -> memref<8192xf32, #tpu.memory_space<hbm>>
    %dma_start3A_93 = arith.constant 0 : i32
    %dma_start3A_94 = tpu.memref_slice %arg11[%dma_start3A_87, %dma_start3A_93] : memref<2x8192xf32, #tpu.memory_space<vmem>> -> memref<1x8192xf32, #tpu.memory_space<vmem>>
    %dma_start3A_95 = tpu.memref_squeeze %dma_start3A_94 : memref<1x8192xf32, #tpu.memory_space<vmem>> -> memref<8192xf32, #tpu.memory_space<vmem>>
    %dma_start3A_96 = tpu.memref_slice %arg4[%squeeze3A, %add3A_86] : memref<8x8388608xf32, #tpu.memory_space<hbm>> -> memref<1x8192xf32, #tpu.memory_space<hbm>>
    %dma_start3A_97 = tpu.memref_squeeze %dma_start3A_96 : memref<1x8192xf32, #tpu.memory_space<hbm>> -> memref<8192xf32, #tpu.memory_space<hbm>>
    tpu.enqueue_dma source(%dma_start3A_97 : memref<8192xf32, #tpu.memory_space<hbm>>) target(%dma_start3A_95 : memref<8192xf32, #tpu.memory_space<vmem>>) target_semaphore(%arg19 : memref<!tpu.dma_semaphore, #tpu.memory_space<semaphore_mem>>)
    %dma_start3A_98 = arith.constant 1 : i32
    %dma_start3A_99 = arith.constant 0 : i32
    %dma_start3A_100 = tpu.memref_slice %arg11[%dma_start3A_98, %dma_start3A_99] : memref<2x8192xf32, #tpu.memory_space<vmem>> -> memref<1x8192xf32, #tpu.memory_space<vmem>>
    %dma_start3A_101 = tpu.memref_squeeze %dma_start3A_100 : memref<1x8192xf32, #tpu.memory_space<vmem>> -> memref<8192xf32, #tpu.memory_space<vmem>>
    %dma_start3A_102 = tpu.memref_slice %arg4[%add3A_13, %add3A_86] : memref<8x8388608xf32, #tpu.memory_space<hbm>> -> memref<1x8192xf32, #tpu.memory_space<hbm>>
    %dma_start3A_103 = tpu.memref_squeeze %dma_start3A_102 : memref<1x8192xf32, #tpu.memory_space<hbm>> -> memref<8192xf32, #tpu.memory_space<hbm>>
    %dma_start3A_104 = arith.constant 0 : i32
    %dma_start3A_105 = tpu.memref_slice %arg11[%dma_start3A_98, %dma_start3A_104] : memref<2x8192xf32, #tpu.memory_space<vmem>> -> memref<1x8192xf32, #tpu.memory_space<vmem>>
    %dma_start3A_106 = tpu.memref_squeeze %dma_start3A_105 : memref<1x8192xf32, #tpu.memory_space<vmem>> -> memref<8192xf32, #tpu.memory_space<vmem>>
    %dma_start3A_107 = tpu.memref_slice %arg4[%add3A_13, %add3A_86] : memref<8x8388608xf32, #tpu.memory_space<hbm>> -> memref<1x8192xf32, #tpu.memory_space<hbm>>
    %dma_start3A_108 = tpu.memref_squeeze %dma_start3A_107 : memref<1x8192xf32, #tpu.memory_space<hbm>> -> memref<8192xf32, #tpu.memory_space<hbm>>
    tpu.enqueue_dma source(%dma_start3A_108 : memref<8192xf32, #tpu.memory_space<hbm>>) target(%dma_start3A_106 : memref<8192xf32, #tpu.memory_space<vmem>>) target_semaphore(%arg19 : memref<!tpu.dma_semaphore, #tpu.memory_space<semaphore_mem>>)
    %scan3A = arith.constant 0 : i32
    %scan3A_109 = arith.constant 8 : i32
    %scan3A_110 = arith.addi %scan3A, %scan3A_109 : i32
    %scan3A_111 = arith.constant 1 : i32
    scf.for %scan3A_128 = %scan3A to %scan3A_110 step %scan3A_111  : i32 {
      %mul3A_129 = arith.constant 4 : i32
      %mul3A_130 = arith.muli %scan3A_128, %mul3A_129 : i32
      %add3A_131 = arith.constant 0 : i32
      %add3A_132 = arith.addi %add3A_131, %mul3A_130 : i32
      %add3A_133 = arith.constant 0 : i32
      %add3A_134 = arith.addi %add3A_132, %add3A_133 : i32
      %mul3A_135 = arith.constant 8192 : i32
      %mul3A_136 = arith.muli %add3A_134, %mul3A_135 : i32
      %add3A_137 = arith.addi %mul3A_9, %mul3A_136 : i32
      %dma_wait3A_138 = arith.constant 0 : i32
      %dma_wait3A_139 = arith.constant 0 : i32
      %dma_wait3A_140 = tpu.memref_slice %arg8[%dma_wait3A_138, %dma_wait3A_139] : memref<2x8192xf32, #tpu.memory_space<vmem>> -> memref<1x8192xf32, #tpu.memory_space<vmem>>
      %dma_wait3A_141 = tpu.memref_squeeze %dma_wait3A_140 : memref<1x8192xf32, #tpu.memory_space<vmem>> -> memref<8192xf32, #tpu.memory_space<vmem>>
      %dma_wait3A_142 = tpu.memref_slice %arg4[%squeeze3A, %add3A_137] : memref<8x8388608xf32, #tpu.memory_space<hbm>> -> memref<1x8192xf32, #tpu.memory_space<hbm>>
      %dma_wait3A_143 = tpu.memref_squeeze %dma_wait3A_142 : memref<1x8192xf32, #tpu.memory_space<hbm>> -> memref<8192xf32, #tpu.memory_space<hbm>>
      %dma_wait3A_144 = arith.constant 0 : i32
      %dma_wait3A_145 = tpu.memref_slice %arg8[%dma_wait3A_138, %dma_wait3A_144] : memref<2x8192xf32, #tpu.memory_space<vmem>> -> memref<1x8192xf32, #tpu.memory_space<vmem>>
      %dma_wait3A_146 = tpu.memref_squeeze %dma_wait3A_145 : memref<1x8192xf32, #tpu.memory_space<vmem>> -> memref<8192xf32, #tpu.memory_space<vmem>>
      %dma_wait3A_147 = tpu.memref_slice %arg4[%squeeze3A, %add3A_137] : memref<8x8388608xf32, #tpu.memory_space<hbm>> -> memref<1x8192xf32, #tpu.memory_space<hbm>>
      %dma_wait3A_148 = tpu.memref_squeeze %dma_wait3A_147 : memref<1x8192xf32, #tpu.memory_space<hbm>> -> memref<8192xf32, #tpu.memory_space<hbm>>
      tpu.wait_dma2 semaphore(%arg16 : memref<!tpu.dma_semaphore, #tpu.memory_space<semaphore_mem>>) src(%dma_wait3A_148 : memref<8192xf32, #tpu.memory_space<hbm>>) dst(%dma_wait3A_146 : memref<8192xf32, #tpu.memory_space<vmem>>)
      %dma_wait3A_149 = arith.constant 1 : i32
      %dma_wait3A_150 = arith.constant 0 : i32
      %dma_wait3A_151 = tpu.memref_slice %arg8[%dma_wait3A_149, %dma_wait3A_150] : memref<2x8192xf32, #tpu.memory_space<vmem>> -> memref<1x8192xf32, #tpu.memory_space<vmem>>
      %dma_wait3A_152 = tpu.memref_squeeze %dma_wait3A_151 : memref<1x8192xf32, #tpu.memory_space<vmem>> -> memref<8192xf32, #tpu.memory_space<vmem>>
      %dma_wait3A_153 = tpu.memref_slice %arg4[%add3A_13, %add3A_137] : memref<8x8388608xf32, #tpu.memory_space<hbm>> -> memref<1x8192xf32, #tpu.memory_space<hbm>>
      %dma_wait3A_154 = tpu.memref_squeeze %dma_wait3A_153 : memref<1x8192xf32, #tpu.memory_space<hbm>> -> memref<8192xf32, #tpu.memory_space<hbm>>
      %dma_wait3A_155 = arith.constant 0 : i32
      %dma_wait3A_156 = tpu.memref_slice %arg8[%dma_wait3A_149, %dma_wait3A_155] : memref<2x8192xf32, #tpu.memory_space<vmem>> -> memref<1x8192xf32, #tpu.memory_space<vmem>>
      %dma_wait3A_157 = tpu.memref_squeeze %dma_wait3A_156 : memref<1x8192xf32, #tpu.memory_space<vmem>> -> memref<8192xf32, #tpu.memory_space<vmem>>
      %dma_wait3A_158 = tpu.memref_slice %arg4[%add3A_13, %add3A_137] : memref<8x8388608xf32, #tpu.memory_space<hbm>> -> memref<1x8192xf32, #tpu.memory_space<hbm>>
      %dma_wait3A_159 = tpu.memref_squeeze %dma_wait3A_158 : memref<1x8192xf32, #tpu.memory_space<hbm>> -> memref<8192xf32, #tpu.memory_space<hbm>>
      tpu.wait_dma2 semaphore(%arg16 : memref<!tpu.dma_semaphore, #tpu.memory_space<semaphore_mem>>) src(%dma_wait3A_159 : memref<8192xf32, #tpu.memory_space<hbm>>) dst(%dma_wait3A_157 : memref<8192xf32, #tpu.memory_space<vmem>>)
      %ge3A = arith.constant 4 : i32
      %ge3A_160 = arith.cmpi sge, %add3A_134, %ge3A : i32
      %convert_element_type3A = arith.extui %ge3A_160 : i1 to i32
      %cond3A = arith.constant 0 : i32
      %cond3A_161 = arith.cmpi ne, %convert_element_type3A, %cond3A : i32
      scf.if %cond3A_161 {
        %sub3A_316 = arith.constant 4 : i32
        %sub3A_317 = arith.subi %add3A_134, %sub3A_316 : i32
        %mul3A_318 = arith.constant 8192 : i32
        %mul3A_319 = arith.muli %sub3A_317, %mul3A_318 : i32
        %add3A_320 = arith.addi %mul3A_11, %mul3A_319 : i32
        %dma_wait3A_321 = tpu.memref_slice %arg5[%add3A_320] : memref<8388608xf32, #tpu.memory_space<hbm>> -> memref<8192xf32, #tpu.memory_space<hbm>>
        %dma_wait3A_322 = tpu.memref_slice %arg5[%add3A_320] : memref<8388608xf32, #tpu.memory_space<hbm>> -> memref<8192xf32, #tpu.memory_space<hbm>>
        tpu.wait_dma2 semaphore(%arg20 : memref<!tpu.dma_semaphore, #tpu.memory_space<semaphore_mem>>) src(%arg12 : memref<8192xf32, #tpu.memory_space<vmem>>) dst(%dma_wait3A_322 : memref<8192xf32, #tpu.memory_space<hbm>>)
      } else {
      }
      %parallel_loop3A = arith.constant 0 : i32
      %parallel_loop3A_162 = arith.constant 512 : i32
      %parallel_loop3A_163 = arith.constant 1 : i32
      scf.for %parallel_loop3A_316 = %parallel_loop3A to %parallel_loop3A_162 step %parallel_loop3A_163  : i32 {
        %parallel_loop3A_317 = arith.constant 16 : i32
        %parallel_loop3A_318 = arith.muli %parallel_loop3A_316, %parallel_loop3A_317 : i32
        %parallel_loop3A_319 = arith.constant 0 : i32
        %parallel_loop3A_320 = arith.index_cast %parallel_loop3A_319 : i32 to index
        %parallel_loop3A_321 = arith.index_cast %parallel_loop3A_318 : i32 to index
        %parallel_loop3A_322 = tpu.vector_load %arg8[%parallel_loop3A_320, %parallel_loop3A_321] {strides = array<i32>} : memref<2x8192xf32, #tpu.memory_space<vmem>>, vector<1x16xf32>,
        %parallel_loop3A_323 = vector.shape_cast %parallel_loop3A_322 : vector<1x16xf32> to vector<16xf32>
        %parallel_loop3A_324 = arith.constant 16 : i32
        %parallel_loop3A_325 = arith.muli %parallel_loop3A_316, %parallel_loop3A_324 : i32
        %parallel_loop3A_326 = arith.constant 1 : i32
        %parallel_loop3A_327 = arith.index_cast %parallel_loop3A_326 : i32 to index
        %parallel_loop3A_328 = arith.index_cast %parallel_loop3A_325 : i32 to index
        %parallel_loop3A_329 = tpu.vector_load %arg8[%parallel_loop3A_327, %parallel_loop3A_328] {strides = array<i32>} : memref<2x8192xf32, #tpu.memory_space<vmem>>, vector<1x16xf32>,
        %parallel_loop3A_330 = vector.shape_cast %parallel_loop3A_329 : vector<1x16xf32> to vector<16xf32>
        %parallel_loop3A_331 = arith.mulf %parallel_loop3A_323, %get3A_2 : vector<16xf32>
        %parallel_loop3A_332 = arith.mulf %parallel_loop3A_330, %sub3A_4 : vector<16xf32>
        %parallel_loop3A_333 = arith.addf %parallel_loop3A_331, %parallel_loop3A_332 : vector<16xf32>
        %parallel_loop3A_334 = arith.constant 16 : i32
        %parallel_loop3A_335 = arith.muli %parallel_loop3A_316, %parallel_loop3A_334 : i32
        %parallel_loop3A_336 = arith.index_cast %parallel_loop3A_335 : i32 to index
        %parallel_loop3A_337 = tpu.vector_load %arg12[%parallel_loop3A_336] {strides = array<i32>} : memref<8192xf32, #tpu.memory_space<vmem>>, vector<16xf32>,
        %parallel_loop3A_338 = vector.shape_cast %parallel_loop3A_337 : vector<16xf32> to vector<16xf32>
        %parallel_loop3A_339 = vector.shape_cast %parallel_loop3A_333 : vector<16xf32> to vector<16xf32>
        tpu.vector_store %arg12[%parallel_loop3A_336], %parallel_loop3A_339 {strides = array<i32>} : memref<8192xf32, #tpu.memory_space<vmem>>, vector<16xf32>,
      } {sc.loop_unroll_factor = 8 : i64, sc.parallel_access}
      %add3A_164 = arith.constant 4 : i32
      %add3A_165 = arith.addi %add3A_134, %add3A_164 : i32
      %lt3A = arith.constant 32 : i32
      %lt3A_166 = arith.cmpi slt, %add3A_165, %lt3A : i32
      %convert_element_type3A_167 = arith.extui %lt3A_166 : i1 to i32
      %cond3A_168 = arith.constant 0 : i32
      %cond3A_169 = arith.cmpi ne, %convert_element_type3A_167, %cond3A_168 : i32
      scf.if %cond3A_169 {
        %add3A_316 = arith.constant 4 : i32
        %add3A_317 = arith.addi %add3A_134, %add3A_316 : i32
        %mul3A_318 = arith.constant 8192 : i32
        %mul3A_319 = arith.muli %add3A_317, %mul3A_318 : i32
        %add3A_320 = arith.addi %mul3A_9, %mul3A_319 : i32
        %dma_start3A_321 = arith.constant 0 : i32
        %dma_start3A_322 = arith.constant 0 : i32
        %dma_start3A_323 = tpu.memref_slice %arg8[%dma_start3A_321, %dma_start3A_322] : memref<2x8192xf32, #tpu.memory_space<vmem>> -> memref<1x8192xf32, #tpu.memory_space<vmem>>
        %dma_start3A_324 = tpu.memref_squeeze %dma_start3A_323 : memref<1x8192xf32, #tpu.memory_space<vmem>> -> memref<8192xf32, #tpu.memory_space<vmem>>
        %dma_start3A_325 = tpu.memref_slice %arg4[%squeeze3A, %add3A_320] : memref<8x8388608xf32, #tpu.memory_space<hbm>> -> memref<1x8192xf32, #tpu.memory_space<hbm>>
        %dma_start3A_326 = tpu.memref_squeeze %dma_start3A_325 : memref<1x8192xf32, #tpu.memory_space<hbm>> -> memref<8192xf32, #tpu.memory_space<hbm>>
        %dma_start3A_327 = arith.constant 0 : i32
        %dma_start3A_328 = tpu.memref_slice %arg8[%dma_start3A_321, %dma_start3A_327] : memref<2x8192xf32, #tpu.memory_space<vmem>> -> memref<1x8192xf32, #tpu.memory_space<vmem>>
        %dma_start3A_329 = tpu.memref_squeeze %dma_start3A_328 : memref<1x8192xf32, #tpu.memory_space<vmem>> -> memref<8192xf32, #tpu.memory_space<vmem>>
        %dma_start3A_330 = tpu.memref_slice %arg4[%squeeze3A, %add3A_320] : memref<8x8388608xf32, #tpu.memory_space<hbm>> -> memref<1x8192xf32, #tpu.memory_space<hbm>>
        %dma_start3A_331 = tpu.memref_squeeze %dma_start3A_330 : memref<1x8192xf32, #tpu.memory_space<hbm>> -> memref<8192xf32, #tpu.memory_space<hbm>>
        tpu.enqueue_dma source(%dma_start3A_331 : memref<8192xf32, #tpu.memory_space<hbm>>) target(%dma_start3A_329 : memref<8192xf32, #tpu.memory_space<vmem>>) target_semaphore(%arg16 : memref<!tpu.dma_semaphore, #tpu.memory_space<semaphore_mem>>)
        %dma_start3A_332 = arith.constant 1 : i32
        %dma_start3A_333 = arith.constant 0 : i32
        %dma_start3A_334 = tpu.memref_slice %arg8[%dma_start3A_332, %dma_start3A_333] : memref<2x8192xf32, #tpu.memory_space<vmem>> -> memref<1x8192xf32, #tpu.memory_space<vmem>>
        %dma_start3A_335 = tpu.memref_squeeze %dma_start3A_334 : memref<1x8192xf32, #tpu.memory_space<vmem>> -> memref<8192xf32, #tpu.memory_space<vmem>>
        %dma_start3A_336 = tpu.memref_slice %arg4[%add3A_13, %add3A_320] : memref<8x8388608xf32, #tpu.memory_space<hbm>> -> memref<1x8192xf32, #tpu.memory_space<hbm>>
        %dma_start3A_337 = tpu.memref_squeeze %dma_start3A_336 : memref<1x8192xf32, #tpu.memory_space<hbm>> -> memref<8192xf32, #tpu.memory_space<hbm>>
        %dma_start3A_338 = arith.constant 0 : i32
        %dma_start3A_339 = tpu.memref_slice %arg8[%dma_start3A_332, %dma_start3A_338] : memref<2x8192xf32, #tpu.memory_space<vmem>> -> memref<1x8192xf32, #tpu.memory_space<vmem>>
        %dma_start3A_340 = tpu.memref_squeeze %dma_start3A_339 : memref<1x8192xf32, #tpu.memory_space<vmem>> -> memref<8192xf32, #tpu.memory_space<vmem>>
        %dma_start3A_341 = tpu.memref_slice %arg4[%add3A_13, %add3A_320] : memref<8x8388608xf32, #tpu.memory_space<hbm>> -> memref<1x8192xf32, #tpu.memory_space<hbm>>
        %dma_start3A_342 = tpu.memref_squeeze %dma_start3A_341 : memref<1x8192xf32, #tpu.memory_space<hbm>> -> memref<8192xf32, #tpu.memory_space<hbm>>
        tpu.enqueue_dma source(%dma_start3A_342 : memref<8192xf32, #tpu.memory_space<hbm>>) target(%dma_start3A_340 : memref<8192xf32, #tpu.memory_space<vmem>>) target_semaphore(%arg16 : memref<!tpu.dma_semaphore, #tpu.memory_space<semaphore_mem>>)
      } else {
      }
      %mul3A_170 = arith.constant 8192 : i32
      %mul3A_171 = arith.muli %add3A_134, %mul3A_170 : i32
      %add3A_172 = arith.addi %mul3A_11, %mul3A_171 : i32
      %dma_start3A_173 = tpu.memref_slice %arg5[%add3A_172] : memref<8388608xf32, #tpu.memory_space<hbm>> -> memref<8192xf32, #tpu.memory_space<hbm>>
      %dma_start3A_174 = tpu.memref_slice %arg5[%add3A_172] : memref<8388608xf32, #tpu.memory_space<hbm>> -> memref<8192xf32, #tpu.memory_space<hbm>>
      tpu.enqueue_dma source(%arg12 : memref<8192xf32, #tpu.memory_space<vmem>>) target(%dma_start3A_174 : memref<8192xf32, #tpu.memory_space<hbm>>) target_semaphore(%arg20 : memref<!tpu.dma_semaphore, #tpu.memory_space<semaphore_mem>>)
      %add3A_175 = arith.constant 1 : i32
      %add3A_176 = arith.addi %add3A_132, %add3A_175 : i32
      %mul3A_177 = arith.constant 8192 : i32
      %mul3A_178 = arith.muli %add3A_176, %mul3A_177 : i32
      %add3A_179 = arith.addi %mul3A_9, %mul3A_178 : i32
      %dma_wait3A_180 = arith.constant 0 : i32
      %dma_wait3A_181 = arith.constant 0 : i32
      %dma_wait3A_182 = tpu.memref_slice %arg9[%dma_wait3A_180, %dma_wait3A_181] : memref<2x8192xf32, #tpu.memory_space<vmem>> -> memref<1x8192xf32, #tpu.memory_space<vmem>>
      %dma_wait3A_183 = tpu.memref_squeeze %dma_wait3A_182 : memref<1x8192xf32, #tpu.memory_space<vmem>> -> memref<8192xf32, #tpu.memory_space<vmem>>
      %dma_wait3A_184 = tpu.memref_slice %arg4[%squeeze3A, %add3A_179] : memref<8x8388608xf32, #tpu.memory_space<hbm>> -> memref<1x8192xf32, #tpu.memory_space<hbm>>
      %dma_wait3A_185 = tpu.memref_squeeze %dma_wait3A_184 : memref<1x8192xf32, #tpu.memory_space<hbm>> -> memref<8192xf32, #tpu.memory_space<hbm>>
      %dma_wait3A_186 = arith.constant 0 : i32
      %dma_wait3A_187 = tpu.memref_slice %arg9[%dma_wait3A_180, %dma_wait3A_186] : memref<2x8192xf32, #tpu.memory_space<vmem>> -> memref<1x8192xf32, #tpu.memory_space<vmem>>
      %dma_wait3A_188 = tpu.memref_squeeze %dma_wait3A_187 : memref<1x8192xf32, #tpu.memory_space<vmem>> -> memref<8192xf32, #tpu.memory_space<vmem>>
      %dma_wait3A_189 = tpu.memref_slice %arg4[%squeeze3A, %add3A_179] : memref<8x8388608xf32, #tpu.memory_space<hbm>> -> memref<1x8192xf32, #tpu.memory_space<hbm>>
      %dma_wait3A_190 = tpu.memref_squeeze %dma_wait3A_189 : memref<1x8192xf32, #tpu.memory_space<hbm>> -> memref<8192xf32, #tpu.memory_space<hbm>>
      tpu.wait_dma2 semaphore(%arg17 : memref<!tpu.dma_semaphore, #tpu.memory_space<semaphore_mem>>) src(%dma_wait3A_190 : memref<8192xf32, #tpu.memory_space<hbm>>) dst(%dma_wait3A_188 : memref<8192xf32, #tpu.memory_space<vmem>>)
      %dma_wait3A_191 = arith.constant 1 : i32
      %dma_wait3A_192 = arith.constant 0 : i32
      %dma_wait3A_193 = tpu.memref_slice %arg9[%dma_wait3A_191, %dma_wait3A_192] : memref<2x8192xf32, #tpu.memory_space<vmem>> -> memref<1x8192xf32, #tpu.memory_space<vmem>>
      %dma_wait3A_194 = tpu.memref_squeeze %dma_wait3A_193 : memref<1x8192xf32, #tpu.memory_space<vmem>> -> memref<8192xf32, #tpu.memory_space<vmem>>
      %dma_wait3A_195 = tpu.memref_slice %arg4[%add3A_13, %add3A_179] : memref<8x8388608xf32, #tpu.memory_space<hbm>> -> memref<1x8192xf32, #tpu.memory_space<hbm>>
      %dma_wait3A_196 = tpu.memref_squeeze %dma_wait3A_195 : memref<1x8192xf32, #tpu.memory_space<hbm>> -> memref<8192xf32, #tpu.memory_space<hbm>>
      %dma_wait3A_197 = arith.constant 0 : i32
      %dma_wait3A_198 = tpu.memref_slice %arg9[%dma_wait3A_191, %dma_wait3A_197] : memref<2x8192xf32, #tpu.memory_space<vmem>> -> memref<1x8192xf32, #tpu.memory_space<vmem>>
      %dma_wait3A_199 = tpu.memref_squeeze %dma_wait3A_198 : memref<1x8192xf32, #tpu.memory_space<vmem>> -> memref<8192xf32, #tpu.memory_space<vmem>>
      %dma_wait3A_200 = tpu.memref_slice %arg4[%add3A_13, %add3A_179] : memref<8x8388608xf32, #tpu.memory_space<hbm>> -> memref<1x8192xf32, #tpu.memory_space<hbm>>
      %dma_wait3A_201 = tpu.memref_squeeze %dma_wait3A_200 : memref<1x8192xf32, #tpu.memory_space<hbm>> -> memref<8192xf32, #tpu.memory_space<hbm>>
      tpu.wait_dma2 semaphore(%arg17 : memref<!tpu.dma_semaphore, #tpu.memory_space<semaphore_mem>>) src(%dma_wait3A_201 : memref<8192xf32, #tpu.memory_space<hbm>>) dst(%dma_wait3A_199 : memref<8192xf32, #tpu.memory_space<vmem>>)
      %ge3A_202 = arith.constant 4 : i32
      %ge3A_203 = arith.cmpi sge, %add3A_176, %ge3A_202 : i32
      %convert_element_type3A_204 = arith.extui %ge3A_203 : i1 to i32
      %cond3A_205 = arith.constant 0 : i32
      %cond3A_206 = arith.cmpi ne, %convert_element_type3A_204, %cond3A_205 : i32
      scf.if %cond3A_206 {
        %sub3A_316 = arith.constant 4 : i32
        %sub3A_317 = arith.subi %add3A_176, %sub3A_316 : i32
        %mul3A_318 = arith.constant 8192 : i32
        %mul3A_319 = arith.muli %sub3A_317, %mul3A_318 : i32
        %add3A_320 = arith.addi %mul3A_11, %mul3A_319 : i32
        %dma_wait3A_321 = tpu.memref_slice %arg5[%add3A_320] : memref<8388608xf32, #tpu.memory_space<hbm>> -> memref<8192xf32, #tpu.memory_space<hbm>>
        %dma_wait3A_322 = tpu.memref_slice %arg5[%add3A_320] : memref<8388608xf32, #tpu.memory_space<hbm>> -> memref<8192xf32, #tpu.memory_space<hbm>>
        tpu.wait_dma2 semaphore(%arg21 : memref<!tpu.dma_semaphore, #tpu.memory_space<semaphore_mem>>) src(%arg13 : memref<8192xf32, #tpu.memory_space<vmem>>) dst(%dma_wait3A_322 : memref<8192xf32, #tpu.memory_space<hbm>>)
      } else {
      }
      %parallel_loop3A_207 = arith.constant 0 : i32
      %parallel_loop3A_208 = arith.constant 512 : i32
      %parallel_loop3A_209 = arith.constant 1 : i32
      scf.for %parallel_loop3A_316 = %parallel_loop3A_207 to %parallel_loop3A_208 step %parallel_loop3A_209  : i32 {
        %parallel_loop3A_317 = arith.constant 16 : i32
        %parallel_loop3A_318 = arith.muli %parallel_loop3A_316, %parallel_loop3A_317 : i32
        %parallel_loop3A_319 = arith.constant 0 : i32
        %parallel_loop3A_320 = arith.index_cast %parallel_loop3A_319 : i32 to index
        %parallel_loop3A_321 = arith.index_cast %parallel_loop3A_318 : i32 to index
        %parallel_loop3A_322 = tpu.vector_load %arg9[%parallel_loop3A_320, %parallel_loop3A_321] {strides = array<i32>} : memref<2x8192xf32, #tpu.memory_space<vmem>>, vector<1x16xf32>,
        %parallel_loop3A_323 = vector.shape_cast %parallel_loop3A_322 : vector<1x16xf32> to vector<16xf32>
        %parallel_loop3A_324 = arith.constant 16 : i32
        %parallel_loop3A_325 = arith.muli %parallel_loop3A_316, %parallel_loop3A_324 : i32
        %parallel_loop3A_326 = arith.constant 1 : i32
        %parallel_loop3A_327 = arith.index_cast %parallel_loop3A_326 : i32 to index
        %parallel_loop3A_328 = arith.index_cast %parallel_loop3A_325 : i32 to index
        %parallel_loop3A_329 = tpu.vector_load %arg9[%parallel_loop3A_327, %parallel_loop3A_328] {strides = array<i32>} : memref<2x8192xf32, #tpu.memory_space<vmem>>, vector<1x16xf32>,
        %parallel_loop3A_330 = vector.shape_cast %parallel_loop3A_329 : vector<1x16xf32> to vector<16xf32>
        %parallel_loop3A_331 = arith.mulf %parallel_loop3A_323, %get3A_2 : vector<16xf32>
        %parallel_loop3A_332 = arith.mulf %parallel_loop3A_330, %sub3A_4 : vector<16xf32>
        %parallel_loop3A_333 = arith.addf %parallel_loop3A_331, %parallel_loop3A_332 : vector<16xf32>
        %parallel_loop3A_334 = arith.constant 16 : i32
        %parallel_loop3A_335 = arith.muli %parallel_loop3A_316, %parallel_loop3A_334 : i32
        %parallel_loop3A_336 = arith.index_cast %parallel_loop3A_335 : i32 to index
        %parallel_loop3A_337 = tpu.vector_load %arg13[%parallel_loop3A_336] {strides = array<i32>} : memref<8192xf32, #tpu.memory_space<vmem>>, vector<16xf32>,
        %parallel_loop3A_338 = vector.shape_cast %parallel_loop3A_337 : vector<16xf32> to vector<16xf32>
        %parallel_loop3A_339 = vector.shape_cast %parallel_loop3A_333 : vector<16xf32> to vector<16xf32>
        tpu.vector_store %arg13[%parallel_loop3A_336], %parallel_loop3A_339 {strides = array<i32>} : memref<8192xf32, #tpu.memory_space<vmem>>, vector<16xf32>,
      } {sc.loop_unroll_factor = 8 : i64, sc.parallel_access}
      %add3A_210 = arith.constant 4 : i32
      %add3A_211 = arith.addi %add3A_176, %add3A_210 : i32
      %lt3A_212 = arith.constant 32 : i32
      %lt3A_213 = arith.cmpi slt, %add3A_211, %lt3A_212 : i32
      %convert_element_type3A_214 = arith.extui %lt3A_213 : i1 to i32
      %cond3A_215 = arith.constant 0 : i32
      %cond3A_216 = arith.cmpi ne, %convert_element_type3A_214, %cond3A_215 : i32
      scf.if %cond3A_216 {
        %add3A_316 = arith.constant 4 : i32
        %add3A_317 = arith.addi %add3A_176, %add3A_316 : i32
        %mul3A_318 = arith.constant 8192 : i32
        %mul3A_319 = arith.muli %add3A_317, %mul3A_318 : i32
        %add3A_320 = arith.addi %mul3A_9, %mul3A_319 : i32
        %dma_start3A_321 = arith.constant 0 : i32
        %dma_start3A_322 = arith.constant 0 : i32
        %dma_start3A_323 = tpu.memref_slice %arg9[%dma_start3A_321, %dma_start3A_322] : memref<2x8192xf32, #tpu.memory_space<vmem>> -> memref<1x8192xf32, #tpu.memory_space<vmem>>
        %dma_start3A_324 = tpu.memref_squeeze %dma_start3A_323 : memref<1x8192xf32, #tpu.memory_space<vmem>> -> memref<8192xf32, #tpu.memory_space<vmem>>
        %dma_start3A_325 = tpu.memref_slice %arg4[%squeeze3A, %add3A_320] : memref<8x8388608xf32, #tpu.memory_space<hbm>> -> memref<1x8192xf32, #tpu.memory_space<hbm>>
        %dma_start3A_326 = tpu.memref_squeeze %dma_start3A_325 : memref<1x8192xf32, #tpu.memory_space<hbm>> -> memref<8192xf32, #tpu.memory_space<hbm>>
        %dma_start3A_327 = arith.constant 0 : i32
        %dma_start3A_328 = tpu.memref_slice %arg9[%dma_start3A_321, %dma_start3A_327] : memref<2x8192xf32, #tpu.memory_space<vmem>> -> memref<1x8192xf32, #tpu.memory_space<vmem>>
        %dma_start3A_329 = tpu.memref_squeeze %dma_start3A_328 : memref<1x8192xf32, #tpu.memory_space<vmem>> -> memref<8192xf32, #tpu.memory_space<vmem>>
        %dma_start3A_330 = tpu.memref_slice %arg4[%squeeze3A, %add3A_320] : memref<8x8388608xf32, #tpu.memory_space<hbm>> -> memref<1x8192xf32, #tpu.memory_space<hbm>>
        %dma_start3A_331 = tpu.memref_squeeze %dma_start3A_330 : memref<1x8192xf32, #tpu.memory_space<hbm>> -> memref<8192xf32, #tpu.memory_space<hbm>>
        tpu.enqueue_dma source(%dma_start3A_331 : memref<8192xf32, #tpu.memory_space<hbm>>) target(%dma_start3A_329 : memref<8192xf32, #tpu.memory_space<vmem>>) target_semaphore(%arg17 : memref<!tpu.dma_semaphore, #tpu.memory_space<semaphore_mem>>)
        %dma_start3A_332 = arith.constant 1 : i32
        %dma_start3A_333 = arith.constant 0 : i32
        %dma_start3A_334 = tpu.memref_slice %arg9[%dma_start3A_332, %dma_start3A_333] : memref<2x8192xf32, #tpu.memory_space<vmem>> -> memref<1x8192xf32, #tpu.memory_space<vmem>>
        %dma_start3A_335 = tpu.memref_squeeze %dma_start3A_334 : memref<1x8192xf32, #tpu.memory_space<vmem>> -> memref<8192xf32, #tpu.memory_space<vmem>>
        %dma_start3A_336 = tpu.memref_slice %arg4[%add3A_13, %add3A_320] : memref<8x8388608xf32, #tpu.memory_space<hbm>> -> memref<1x8192xf32, #tpu.memory_space<hbm>>
        %dma_start3A_337 = tpu.memref_squeeze %dma_start3A_336 : memref<1x8192xf32, #tpu.memory_space<hbm>> -> memref<8192xf32, #tpu.memory_space<hbm>>
        %dma_start3A_338 = arith.constant 0 : i32
        %dma_start3A_339 = tpu.memref_slice %arg9[%dma_start3A_332, %dma_start3A_338] : memref<2x8192xf32, #tpu.memory_space<vmem>> -> memref<1x8192xf32, #tpu.memory_space<vmem>>
        %dma_start3A_340 = tpu.memref_squeeze %dma_start3A_339 : memref<1x8192xf32, #tpu.memory_space<vmem>> -> memref<8192xf32, #tpu.memory_space<vmem>>
        %dma_start3A_341 = tpu.memref_slice %arg4[%add3A_13, %add3A_320] : memref<8x8388608xf32, #tpu.memory_space<hbm>> -> memref<1x8192xf32, #tpu.memory_space<hbm>>
        %dma_start3A_342 = tpu.memref_squeeze %dma_start3A_341 : memref<1x8192xf32, #tpu.memory_space<hbm>> -> memref<8192xf32, #tpu.memory_space<hbm>>
        tpu.enqueue_dma source(%dma_start3A_342 : memref<8192xf32, #tpu.memory_space<hbm>>) target(%dma_start3A_340 : memref<8192xf32, #tpu.memory_space<vmem>>) target_semaphore(%arg17 : memref<!tpu.dma_semaphore, #tpu.memory_space<semaphore_mem>>)
      } else {
      }
      %mul3A_217 = arith.constant 8192 : i32
      %mul3A_218 = arith.muli %add3A_176, %mul3A_217 : i32
      %add3A_219 = arith.addi %mul3A_11, %mul3A_218 : i32
      %dma_start3A_220 = tpu.memref_slice %arg5[%add3A_219] : memref<8388608xf32, #tpu.memory_space<hbm>> -> memref<8192xf32, #tpu.memory_space<hbm>>
      %dma_start3A_221 = tpu.memref_slice %arg5[%add3A_219] : memref<8388608xf32, #tpu.memory_space<hbm>> -> memref<8192xf32, #tpu.memory_space<hbm>>
      tpu.enqueue_dma source(%arg13 : memref<8192xf32, #tpu.memory_space<vmem>>) target(%dma_start3A_221 : memref<8192xf32, #tpu.memory_space<hbm>>) target_semaphore(%arg21 : memref<!tpu.dma_semaphore, #tpu.memory_space<semaphore_mem>>)
      %add3A_222 = arith.constant 2 : i32
      %add3A_223 = arith.addi %add3A_132, %add3A_222 : i32
      %mul3A_224 = arith.constant 8192 : i32
      %mul3A_225 = arith.muli %add3A_223, %mul3A_224 : i32
      %add3A_226 = arith.addi %mul3A_9, %mul3A_225 : i32
      %dma_wait3A_227 = arith.constant 0 : i32
      %dma_wait3A_228 = arith.constant 0 : i32
      %dma_wait3A_229 = tpu.memref_slice %arg10[%dma_wait3A_227, %dma_wait3A_228] : memref<2x8192xf32, #tpu.memory_space<vmem>> -> memref<1x8192xf32, #tpu.memory_space<vmem>>
      %dma_wait3A_230 = tpu.memref_squeeze %dma_wait3A_229 : memref<1x8192xf32, #tpu.memory_space<vmem>> -> memref<8192xf32, #tpu.memory_space<vmem>>
      %dma_wait3A_231 = tpu.memref_slice %arg4[%squeeze3A, %add3A_226] : memref<8x8388608xf32, #tpu.memory_space<hbm>> -> memref<1x8192xf32, #tpu.memory_space<hbm>>
      %dma_wait3A_232 = tpu.memref_squeeze %dma_wait3A_231 : memref<1x8192xf32, #tpu.memory_space<hbm>> -> memref<8192xf32, #tpu.memory_space<hbm>>
      %dma_wait3A_233 = arith.constant 0 : i32
      %dma_wait3A_234 = tpu.memref_slice %arg10[%dma_wait3A_227, %dma_wait3A_233] : memref<2x8192xf32, #tpu.memory_space<vmem>> -> memref<1x8192xf32, #tpu.memory_space<vmem>>
      %dma_wait3A_235 = tpu.memref_squeeze %dma_wait3A_234 : memref<1x8192xf32, #tpu.memory_space<vmem>> -> memref<8192xf32, #tpu.memory_space<vmem>>
      %dma_wait3A_236 = tpu.memref_slice %arg4[%squeeze3A, %add3A_226] : memref<8x8388608xf32, #tpu.memory_space<hbm>> -> memref<1x8192xf32, #tpu.memory_space<hbm>>
      %dma_wait3A_237 = tpu.memref_squeeze %dma_wait3A_236 : memref<1x8192xf32, #tpu.memory_space<hbm>> -> memref<8192xf32, #tpu.memory_space<hbm>>
      tpu.wait_dma2 semaphore(%arg18 : memref<!tpu.dma_semaphore, #tpu.memory_space<semaphore_mem>>) src(%dma_wait3A_237 : memref<8192xf32, #tpu.memory_space<hbm>>) dst(%dma_wait3A_235 : memref<8192xf32, #tpu.memory_space<vmem>>)
      %dma_wait3A_238 = arith.constant 1 : i32
      %dma_wait3A_239 = arith.constant 0 : i32
      %dma_wait3A_240 = tpu.memref_slice %arg10[%dma_wait3A_238, %dma_wait3A_239] : memref<2x8192xf32, #tpu.memory_space<vmem>> -> memref<1x8192xf32, #tpu.memory_space<vmem>>
      %dma_wait3A_241 = tpu.memref_squeeze %dma_wait3A_240 : memref<1x8192xf32, #tpu.memory_space<vmem>> -> memref<8192xf32, #tpu.memory_space<vmem>>
      %dma_wait3A_242 = tpu.memref_slice %arg4[%add3A_13, %add3A_226] : memref<8x8388608xf32, #tpu.memory_space<hbm>> -> memref<1x8192xf32, #tpu.memory_space<hbm>>
      %dma_wait3A_243 = tpu.memref_squeeze %dma_wait3A_242 : memref<1x8192xf32, #tpu.memory_space<hbm>> -> memref<8192xf32, #tpu.memory_space<hbm>>
      %dma_wait3A_244 = arith.constant 0 : i32
      %dma_wait3A_245 = tpu.memref_slice %arg10[%dma_wait3A_238, %dma_wait3A_244] : memref<2x8192xf32, #tpu.memory_space<vmem>> -> memref<1x8192xf32, #tpu.memory_space<vmem>>
      %dma_wait3A_246 = tpu.memref_squeeze %dma_wait3A_245 : memref<1x8192xf32, #tpu.memory_space<vmem>> -> memref<8192xf32, #tpu.memory_space<vmem>>
      %dma_wait3A_247 = tpu.memref_slice %arg4[%add3A_13, %add3A_226] : memref<8x8388608xf32, #tpu.memory_space<hbm>> -> memref<1x8192xf32, #tpu.memory_space<hbm>>
      %dma_wait3A_248 = tpu.memref_squeeze %dma_wait3A_247 : memref<1x8192xf32, #tpu.memory_space<hbm>> -> memref<8192xf32, #tpu.memory_space<hbm>>
      tpu.wait_dma2 semaphore(%arg18 : memref<!tpu.dma_semaphore, #tpu.memory_space<semaphore_mem>>) src(%dma_wait3A_248 : memref<8192xf32, #tpu.memory_space<hbm>>) dst(%dma_wait3A_246 : memref<8192xf32, #tpu.memory_space<vmem>>)
      %ge3A_249 = arith.constant 4 : i32
      %ge3A_250 = arith.cmpi sge, %add3A_223, %ge3A_249 : i32
      %convert_element_type3A_251 = arith.extui %ge3A_250 : i1 to i32
      %cond3A_252 = arith.constant 0 : i32
      %cond3A_253 = arith.cmpi ne, %convert_element_type3A_251, %cond3A_252 : i32
      scf.if %cond3A_253 {
        %sub3A_316 = arith.constant 4 : i32
        %sub3A_317 = arith.subi %add3A_223, %sub3A_316 : i32
        %mul3A_318 = arith.constant 8192 : i32
        %mul3A_319 = arith.muli %sub3A_317, %mul3A_318 : i32
        %add3A_320 = arith.addi %mul3A_11, %mul3A_319 : i32
        %dma_wait3A_321 = tpu.memref_slice %arg5[%add3A_320] : memref<8388608xf32, #tpu.memory_space<hbm>> -> memref<8192xf32, #tpu.memory_space<hbm>>
        %dma_wait3A_322 = tpu.memref_slice %arg5[%add3A_320] : memref<8388608xf32, #tpu.memory_space<hbm>> -> memref<8192xf32, #tpu.memory_space<hbm>>
        tpu.wait_dma2 semaphore(%arg22 : memref<!tpu.dma_semaphore, #tpu.memory_space<semaphore_mem>>) src(%arg14 : memref<8192xf32, #tpu.memory_space<vmem>>) dst(%dma_wait3A_322 : memref<8192xf32, #tpu.memory_space<hbm>>)
      } else {
      }
      %parallel_loop3A_254 = arith.constant 0 : i32
      %parallel_loop3A_255 = arith.constant 512 : i32
      %parallel_loop3A_256 = arith.constant 1 : i32
      scf.for %parallel_loop3A_316 = %parallel_loop3A_254 to %parallel_loop3A_255 step %parallel_loop3A_256  : i32 {
        %parallel_loop3A_317 = arith.constant 16 : i32
        %parallel_loop3A_318 = arith.muli %parallel_loop3A_316, %parallel_loop3A_317 : i32
        %parallel_loop3A_319 = arith.constant 0 : i32
        %parallel_loop3A_320 = arith.index_cast %parallel_loop3A_319 : i32 to index
        %parallel_loop3A_321 = arith.index_cast %parallel_loop3A_318 : i32 to index
        %parallel_loop3A_322 = tpu.vector_load %arg10[%parallel_loop3A_320, %parallel_loop3A_321] {strides = array<i32>} : memref<2x8192xf32, #tpu.memory_space<vmem>>, vector<1x16xf32>,
        %parallel_loop3A_323 = vector.shape_cast %parallel_loop3A_322 : vector<1x16xf32> to vector<16xf32>
        %parallel_loop3A_324 = arith.constant 16 : i32
        %parallel_loop3A_325 = arith.muli %parallel_loop3A_316, %parallel_loop3A_324 : i32
        %parallel_loop3A_326 = arith.constant 1 : i32
        %parallel_loop3A_327 = arith.index_cast %parallel_loop3A_326 : i32 to index
        %parallel_loop3A_328 = arith.index_cast %parallel_loop3A_325 : i32 to index
        %parallel_loop3A_329 = tpu.vector_load %arg10[%parallel_loop3A_327, %parallel_loop3A_328] {strides = array<i32>} : memref<2x8192xf32, #tpu.memory_space<vmem>>, vector<1x16xf32>,
        %parallel_loop3A_330 = vector.shape_cast %parallel_loop3A_329 : vector<1x16xf32> to vector<16xf32>
        %parallel_loop3A_331 = arith.mulf %parallel_loop3A_323, %get3A_2 : vector<16xf32>
        %parallel_loop3A_332 = arith.mulf %parallel_loop3A_330, %sub3A_4 : vector<16xf32>
        %parallel_loop3A_333 = arith.addf %parallel_loop3A_331, %parallel_loop3A_332 : vector<16xf32>
        %parallel_loop3A_334 = arith.constant 16 : i32
        %parallel_loop3A_335 = arith.muli %parallel_loop3A_316, %parallel_loop3A_334 : i32
        %parallel_loop3A_336 = arith.index_cast %parallel_loop3A_335 : i32 to index
        %parallel_loop3A_337 = tpu.vector_load %arg14[%parallel_loop3A_336] {strides = array<i32>} : memref<8192xf32, #tpu.memory_space<vmem>>, vector<16xf32>,
        %parallel_loop3A_338 = vector.shape_cast %parallel_loop3A_337 : vector<16xf32> to vector<16xf32>
        %parallel_loop3A_339 = vector.shape_cast %parallel_loop3A_333 : vector<16xf32> to vector<16xf32>
        tpu.vector_store %arg14[%parallel_loop3A_336], %parallel_loop3A_339 {strides = array<i32>} : memref<8192xf32, #tpu.memory_space<vmem>>, vector<16xf32>,
      } {sc.loop_unroll_factor = 8 : i64, sc.parallel_access}
      %add3A_257 = arith.constant 4 : i32
      %add3A_258 = arith.addi %add3A_223, %add3A_257 : i32
      %lt3A_259 = arith.constant 32 : i32
      %lt3A_260 = arith.cmpi slt, %add3A_258, %lt3A_259 : i32
      %convert_element_type3A_261 = arith.extui %lt3A_260 : i1 to i32
      %cond3A_262 = arith.constant 0 : i32
      %cond3A_263 = arith.cmpi ne, %convert_element_type3A_261, %cond3A_262 : i32
      scf.if %cond3A_263 {
        %add3A_316 = arith.constant 4 : i32
        %add3A_317 = arith.addi %add3A_223, %add3A_316 : i32
        %mul3A_318 = arith.constant 8192 : i32
        %mul3A_319 = arith.muli %add3A_317, %mul3A_318 : i32
        %add3A_320 = arith.addi %mul3A_9, %mul3A_319 : i32
        %dma_start3A_321 = arith.constant 0 : i32
        %dma_start3A_322 = arith.constant 0 : i32
        %dma_start3A_323 = tpu.memref_slice %arg10[%dma_start3A_321, %dma_start3A_322] : memref<2x8192xf32, #tpu.memory_space<vmem>> -> memref<1x8192xf32, #tpu.memory_space<vmem>>
        %dma_start3A_324 = tpu.memref_squeeze %dma_start3A_323 : memref<1x8192xf32, #tpu.memory_space<vmem>> -> memref<8192xf32, #tpu.memory_space<vmem>>
        %dma_start3A_325 = tpu.memref_slice %arg4[%squeeze3A, %add3A_320] : memref<8x8388608xf32, #tpu.memory_space<hbm>> -> memref<1x8192xf32, #tpu.memory_space<hbm>>
        %dma_start3A_326 = tpu.memref_squeeze %dma_start3A_325 : memref<1x8192xf32, #tpu.memory_space<hbm>> -> memref<8192xf32, #tpu.memory_space<hbm>>
        %dma_start3A_327 = arith.constant 0 : i32
        %dma_start3A_328 = tpu.memref_slice %arg10[%dma_start3A_321, %dma_start3A_327] : memref<2x8192xf32, #tpu.memory_space<vmem>> -> memref<1x8192xf32, #tpu.memory_space<vmem>>
        %dma_start3A_329 = tpu.memref_squeeze %dma_start3A_328 : memref<1x8192xf32, #tpu.memory_space<vmem>> -> memref<8192xf32, #tpu.memory_space<vmem>>
        %dma_start3A_330 = tpu.memref_slice %arg4[%squeeze3A, %add3A_320] : memref<8x8388608xf32, #tpu.memory_space<hbm>> -> memref<1x8192xf32, #tpu.memory_space<hbm>>
        %dma_start3A_331 = tpu.memref_squeeze %dma_start3A_330 : memref<1x8192xf32, #tpu.memory_space<hbm>> -> memref<8192xf32, #tpu.memory_space<hbm>>
        tpu.enqueue_dma source(%dma_start3A_331 : memref<8192xf32, #tpu.memory_space<hbm>>) target(%dma_start3A_329 : memref<8192xf32, #tpu.memory_space<vmem>>) target_semaphore(%arg18 : memref<!tpu.dma_semaphore, #tpu.memory_space<semaphore_mem>>)
        %dma_start3A_332 = arith.constant 1 : i32
        %dma_start3A_333 = arith.constant 0 : i32
        %dma_start3A_334 = tpu.memref_slice %arg10[%dma_start3A_332, %dma_start3A_333] : memref<2x8192xf32, #tpu.memory_space<vmem>> -> memref<1x8192xf32, #tpu.memory_space<vmem>>
        %dma_start3A_335 = tpu.memref_squeeze %dma_start3A_334 : memref<1x8192xf32, #tpu.memory_space<vmem>> -> memref<8192xf32, #tpu.memory_space<vmem>>
        %dma_start3A_336 = tpu.memref_slice %arg4[%add3A_13, %add3A_320] : memref<8x8388608xf32, #tpu.memory_space<hbm>> -> memref<1x8192xf32, #tpu.memory_space<hbm>>
        %dma_start3A_337 = tpu.memref_squeeze %dma_start3A_336 : memref<1x8192xf32, #tpu.memory_space<hbm>> -> memref<8192xf32, #tpu.memory_space<hbm>>
        %dma_start3A_338 = arith.constant 0 : i32
        %dma_start3A_339 = tpu.memref_slice %arg10[%dma_start3A_332, %dma_start3A_338] : memref<2x8192xf32, #tpu.memory_space<vmem>> -> memref<1x8192xf32, #tpu.memory_space<vmem>>
        %dma_start3A_340 = tpu.memref_squeeze %dma_start3A_339 : memref<1x8192xf32, #tpu.memory_space<vmem>> -> memref<8192xf32, #tpu.memory_space<vmem>>
        %dma_start3A_341 = tpu.memref_slice %arg4[%add3A_13, %add3A_320] : memref<8x8388608xf32, #tpu.memory_space<hbm>> -> memref<1x8192xf32, #tpu.memory_space<hbm>>
        %dma_start3A_342 = tpu.memref_squeeze %dma_start3A_341 : memref<1x8192xf32, #tpu.memory_space<hbm>> -> memref<8192xf32, #tpu.memory_space<hbm>>
        tpu.enqueue_dma source(%dma_start3A_342 : memref<8192xf32, #tpu.memory_space<hbm>>) target(%dma_start3A_340 : memref<8192xf32, #tpu.memory_space<vmem>>) target_semaphore(%arg18 : memref<!tpu.dma_semaphore, #tpu.memory_space<semaphore_mem>>)
      } else {
      }
      %mul3A_264 = arith.constant 8192 : i32
      %mul3A_265 = arith.muli %add3A_223, %mul3A_264 : i32
      %add3A_266 = arith.addi %mul3A_11, %mul3A_265 : i32
      %dma_start3A_267 = tpu.memref_slice %arg5[%add3A_266] : memref<8388608xf32, #tpu.memory_space<hbm>> -> memref<8192xf32, #tpu.memory_space<hbm>>
      %dma_start3A_268 = tpu.memref_slice %arg5[%add3A_266] : memref<8388608xf32, #tpu.memory_space<hbm>> -> memref<8192xf32, #tpu.memory_space<hbm>>
      tpu.enqueue_dma source(%arg14 : memref<8192xf32, #tpu.memory_space<vmem>>) target(%dma_start3A_268 : memref<8192xf32, #tpu.memory_space<hbm>>) target_semaphore(%arg22 : memref<!tpu.dma_semaphore, #tpu.memory_space<semaphore_mem>>)
      %add3A_269 = arith.constant 3 : i32
      %add3A_270 = arith.addi %add3A_132, %add3A_269 : i32
      %mul3A_271 = arith.constant 8192 : i32
      %mul3A_272 = arith.muli %add3A_270, %mul3A_271 : i32
      %add3A_273 = arith.addi %mul3A_9, %mul3A_272 : i32
      %dma_wait3A_274 = arith.constant 0 : i32
      %dma_wait3A_275 = arith.constant 0 : i32
      %dma_wait3A_276 = tpu.memref_slice %arg11[%dma_wait3A_274, %dma_wait3A_275] : memref<2x8192xf32, #tpu.memory_space<vmem>> -> memref<1x8192xf32, #tpu.memory_space<vmem>>
      %dma_wait3A_277 = tpu.memref_squeeze %dma_wait3A_276 : memref<1x8192xf32, #tpu.memory_space<vmem>> -> memref<8192xf32, #tpu.memory_space<vmem>>
      %dma_wait3A_278 = tpu.memref_slice %arg4[%squeeze3A, %add3A_273] : memref<8x8388608xf32, #tpu.memory_space<hbm>> -> memref<1x8192xf32, #tpu.memory_space<hbm>>
      %dma_wait3A_279 = tpu.memref_squeeze %dma_wait3A_278 : memref<1x8192xf32, #tpu.memory_space<hbm>> -> memref<8192xf32, #tpu.memory_space<hbm>>
      %dma_wait3A_280 = arith.constant 0 : i32
      %dma_wait3A_281 = tpu.memref_slice %arg11[%dma_wait3A_274, %dma_wait3A_280] : memref<2x8192xf32, #tpu.memory_space<vmem>> -> memref<1x8192xf32, #tpu.memory_space<vmem>>
      %dma_wait3A_282 = tpu.memref_squeeze %dma_wait3A_281 : memref<1x8192xf32, #tpu.memory_space<vmem>> -> memref<8192xf32, #tpu.memory_space<vmem>>
      %dma_wait3A_283 = tpu.memref_slice %arg4[%squeeze3A, %add3A_273] : memref<8x8388608xf32, #tpu.memory_space<hbm>> -> memref<1x8192xf32, #tpu.memory_space<hbm>>
      %dma_wait3A_284 = tpu.memref_squeeze %dma_wait3A_283 : memref<1x8192xf32, #tpu.memory_space<hbm>> -> memref<8192xf32, #tpu.memory_space<hbm>>
      tpu.wait_dma2 semaphore(%arg19 : memref<!tpu.dma_semaphore, #tpu.memory_space<semaphore_mem>>) src(%dma_wait3A_284 : memref<8192xf32, #tpu.memory_space<hbm>>) dst(%dma_wait3A_282 : memref<8192xf32, #tpu.memory_space<vmem>>)
      %dma_wait3A_285 = arith.constant 1 : i32
      %dma_wait3A_286 = arith.constant 0 : i32
      %dma_wait3A_287 = tpu.memref_slice %arg11[%dma_wait3A_285, %dma_wait3A_286] : memref<2x8192xf32, #tpu.memory_space<vmem>> -> memref<1x8192xf32, #tpu.memory_space<vmem>>
      %dma_wait3A_288 = tpu.memref_squeeze %dma_wait3A_287 : memref<1x8192xf32, #tpu.memory_space<vmem>> -> memref<8192xf32, #tpu.memory_space<vmem>>
      %dma_wait3A_289 = tpu.memref_slice %arg4[%add3A_13, %add3A_273] : memref<8x8388608xf32, #tpu.memory_space<hbm>> -> memref<1x8192xf32, #tpu.memory_space<hbm>>
      %dma_wait3A_290 = tpu.memref_squeeze %dma_wait3A_289 : memref<1x8192xf32, #tpu.memory_space<hbm>> -> memref<8192xf32, #tpu.memory_space<hbm>>
      %dma_wait3A_291 = arith.constant 0 : i32
      %dma_wait3A_292 = tpu.memref_slice %arg11[%dma_wait3A_285, %dma_wait3A_291] : memref<2x8192xf32, #tpu.memory_space<vmem>> -> memref<1x8192xf32, #tpu.memory_space<vmem>>
      %dma_wait3A_293 = tpu.memref_squeeze %dma_wait3A_292 : memref<1x8192xf32, #tpu.memory_space<vmem>> -> memref<8192xf32, #tpu.memory_space<vmem>>
      %dma_wait3A_294 = tpu.memref_slice %arg4[%add3A_13, %add3A_273] : memref<8x8388608xf32, #tpu.memory_space<hbm>> -> memref<1x8192xf32, #tpu.memory_space<hbm>>
      %dma_wait3A_295 = tpu.memref_squeeze %dma_wait3A_294 : memref<1x8192xf32, #tpu.memory_space<hbm>> -> memref<8192xf32, #tpu.memory_space<hbm>>
      tpu.wait_dma2 semaphore(%arg19 : memref<!tpu.dma_semaphore, #tpu.memory_space<semaphore_mem>>) src(%dma_wait3A_295 : memref<8192xf32, #tpu.memory_space<hbm>>) dst(%dma_wait3A_293 : memref<8192xf32, #tpu.memory_space<vmem>>)
      %ge3A_296 = arith.constant 4 : i32
      %ge3A_297 = arith.cmpi sge, %add3A_270, %ge3A_296 : i32
      %convert_element_type3A_298 = arith.extui %ge3A_297 : i1 to i32
      %cond3A_299 = arith.constant 0 : i32
      %cond3A_300 = arith.cmpi ne, %convert_element_type3A_298, %cond3A_299 : i32
      scf.if %cond3A_300 {
        %sub3A_316 = arith.constant 4 : i32
        %sub3A_317 = arith.subi %add3A_270, %sub3A_316 : i32
        %mul3A_318 = arith.constant 8192 : i32
        %mul3A_319 = arith.muli %sub3A_317, %mul3A_318 : i32
        %add3A_320 = arith.addi %mul3A_11, %mul3A_319 : i32
        %dma_wait3A_321 = tpu.memref_slice %arg5[%add3A_320] : memref<8388608xf32, #tpu.memory_space<hbm>> -> memref<8192xf32, #tpu.memory_space<hbm>>
        %dma_wait3A_322 = tpu.memref_slice %arg5[%add3A_320] : memref<8388608xf32, #tpu.memory_space<hbm>> -> memref<8192xf32, #tpu.memory_space<hbm>>
        tpu.wait_dma2 semaphore(%arg23 : memref<!tpu.dma_semaphore, #tpu.memory_space<semaphore_mem>>) src(%arg15 : memref<8192xf32, #tpu.memory_space<vmem>>) dst(%dma_wait3A_322 : memref<8192xf32, #tpu.memory_space<hbm>>)
      } else {
      }
      %parallel_loop3A_301 = arith.constant 0 : i32
      %parallel_loop3A_302 = arith.constant 512 : i32
      %parallel_loop3A_303 = arith.constant 1 : i32
      scf.for %parallel_loop3A_316 = %parallel_loop3A_301 to %parallel_loop3A_302 step %parallel_loop3A_303  : i32 {
        %parallel_loop3A_317 = arith.constant 16 : i32
        %parallel_loop3A_318 = arith.muli %parallel_loop3A_316, %parallel_loop3A_317 : i32
        %parallel_loop3A_319 = arith.constant 0 : i32
        %parallel_loop3A_320 = arith.index_cast %parallel_loop3A_319 : i32 to index
        %parallel_loop3A_321 = arith.index_cast %parallel_loop3A_318 : i32 to index
        %parallel_loop3A_322 = tpu.vector_load %arg11[%parallel_loop3A_320, %parallel_loop3A_321] {strides = array<i32>} : memref<2x8192xf32, #tpu.memory_space<vmem>>, vector<1x16xf32>,
        %parallel_loop3A_323 = vector.shape_cast %parallel_loop3A_322 : vector<1x16xf32> to vector<16xf32>
        %parallel_loop3A_324 = arith.constant 16 : i32
        %parallel_loop3A_325 = arith.muli %parallel_loop3A_316, %parallel_loop3A_324 : i32
        %parallel_loop3A_326 = arith.constant 1 : i32
        %parallel_loop3A_327 = arith.index_cast %parallel_loop3A_326 : i32 to index
        %parallel_loop3A_328 = arith.index_cast %parallel_loop3A_325 : i32 to index
        %parallel_loop3A_329 = tpu.vector_load %arg11[%parallel_loop3A_327, %parallel_loop3A_328] {strides = array<i32>} : memref<2x8192xf32, #tpu.memory_space<vmem>>, vector<1x16xf32>,
        %parallel_loop3A_330 = vector.shape_cast %parallel_loop3A_329 : vector<1x16xf32> to vector<16xf32>
        %parallel_loop3A_331 = arith.mulf %parallel_loop3A_323, %get3A_2 : vector<16xf32>
        %parallel_loop3A_332 = arith.mulf %parallel_loop3A_330, %sub3A_4 : vector<16xf32>
        %parallel_loop3A_333 = arith.addf %parallel_loop3A_331, %parallel_loop3A_332 : vector<16xf32>
        %parallel_loop3A_334 = arith.constant 16 : i32
        %parallel_loop3A_335 = arith.muli %parallel_loop3A_316, %parallel_loop3A_334 : i32
        %parallel_loop3A_336 = arith.index_cast %parallel_loop3A_335 : i32 to index
        %parallel_loop3A_337 = tpu.vector_load %arg15[%parallel_loop3A_336] {strides = array<i32>} : memref<8192xf32, #tpu.memory_space<vmem>>, vector<16xf32>,
        %parallel_loop3A_338 = vector.shape_cast %parallel_loop3A_337 : vector<16xf32> to vector<16xf32>
        %parallel_loop3A_339 = vector.shape_cast %parallel_loop3A_333 : vector<16xf32> to vector<16xf32>
        tpu.vector_store %arg15[%parallel_loop3A_336], %parallel_loop3A_339 {strides = array<i32>} : memref<8192xf32, #tpu.memory_space<vmem>>, vector<16xf32>,
      } {sc.loop_unroll_factor = 8 : i64, sc.parallel_access}
      %add3A_304 = arith.constant 4 : i32
      %add3A_305 = arith.addi %add3A_270, %add3A_304 : i32
      %lt3A_306 = arith.constant 32 : i32
      %lt3A_307 = arith.cmpi slt, %add3A_305, %lt3A_306 : i32
      %convert_element_type3A_308 = arith.extui %lt3A_307 : i1 to i32
      %cond3A_309 = arith.constant 0 : i32
      %cond3A_310 = arith.cmpi ne, %convert_element_type3A_308, %cond3A_309 : i32
      scf.if %cond3A_310 {
        %add3A_316 = arith.constant 4 : i32
        %add3A_317 = arith.addi %add3A_270, %add3A_316 : i32
        %mul3A_318 = arith.constant 8192 : i32
        %mul3A_319 = arith.muli %add3A_317, %mul3A_318 : i32
        %add3A_320 = arith.addi %mul3A_9, %mul3A_319 : i32
        %dma_start3A_321 = arith.constant 0 : i32
        %dma_start3A_322 = arith.constant 0 : i32
        %dma_start3A_323 = tpu.memref_slice %arg11[%dma_start3A_321, %dma_start3A_322] : memref<2x8192xf32, #tpu.memory_space<vmem>> -> memref<1x8192xf32, #tpu.memory_space<vmem>>
        %dma_start3A_324 = tpu.memref_squeeze %dma_start3A_323 : memref<1x8192xf32, #tpu.memory_space<vmem>> -> memref<8192xf32, #tpu.memory_space<vmem>>
        %dma_start3A_325 = tpu.memref_slice %arg4[%squeeze3A, %add3A_320] : memref<8x8388608xf32, #tpu.memory_space<hbm>> -> memref<1x8192xf32, #tpu.memory_space<hbm>>
        %dma_start3A_326 = tpu.memref_squeeze %dma_start3A_325 : memref<1x8192xf32, #tpu.memory_space<hbm>> -> memref<8192xf32, #tpu.memory_space<hbm>>
        %dma_start3A_327 = arith.constant 0 : i32
        %dma_start3A_328 = tpu.memref_slice %arg11[%dma_start3A_321, %dma_start3A_327] : memref<2x8192xf32, #tpu.memory_space<vmem>> -> memref<1x8192xf32, #tpu.memory_space<vmem>>
        %dma_start3A_329 = tpu.memref_squeeze %dma_start3A_328 : memref<1x8192xf32, #tpu.memory_space<vmem>> -> memref<8192xf32, #tpu.memory_space<vmem>>
        %dma_start3A_330 = tpu.memref_slice %arg4[%squeeze3A, %add3A_320] : memref<8x8388608xf32, #tpu.memory_space<hbm>> -> memref<1x8192xf32, #tpu.memory_space<hbm>>
        %dma_start3A_331 = tpu.memref_squeeze %dma_start3A_330 : memref<1x8192xf32, #tpu.memory_space<hbm>> -> memref<8192xf32, #tpu.memory_space<hbm>>
        tpu.enqueue_dma source(%dma_start3A_331 : memref<8192xf32, #tpu.memory_space<hbm>>) target(%dma_start3A_329 : memref<8192xf32, #tpu.memory_space<vmem>>) target_semaphore(%arg19 : memref<!tpu.dma_semaphore, #tpu.memory_space<semaphore_mem>>)
        %dma_start3A_332 = arith.constant 1 : i32
        %dma_start3A_333 = arith.constant 0 : i32
        %dma_start3A_334 = tpu.memref_slice %arg11[%dma_start3A_332, %dma_start3A_333] : memref<2x8192xf32, #tpu.memory_space<vmem>> -> memref<1x8192xf32, #tpu.memory_space<vmem>>
        %dma_start3A_335 = tpu.memref_squeeze %dma_start3A_334 : memref<1x8192xf32, #tpu.memory_space<vmem>> -> memref<8192xf32, #tpu.memory_space<vmem>>
        %dma_start3A_336 = tpu.memref_slice %arg4[%add3A_13, %add3A_320] : memref<8x8388608xf32, #tpu.memory_space<hbm>> -> memref<1x8192xf32, #tpu.memory_space<hbm>>
        %dma_start3A_337 = tpu.memref_squeeze %dma_start3A_336 : memref<1x8192xf32, #tpu.memory_space<hbm>> -> memref<8192xf32, #tpu.memory_space<hbm>>
        %dma_start3A_338 = arith.constant 0 : i32
        %dma_start3A_339 = tpu.memref_slice %arg11[%dma_start3A_332, %dma_start3A_338] : memref<2x8192xf32, #tpu.memory_space<vmem>> -> memref<1x8192xf32, #tpu.memory_space<vmem>>
        %dma_start3A_340 = tpu.memref_squeeze %dma_start3A_339 : memref<1x8192xf32, #tpu.memory_space<vmem>> -> memref<8192xf32, #tpu.memory_space<vmem>>
        %dma_start3A_341 = tpu.memref_slice %arg4[%add3A_13, %add3A_320] : memref<8x8388608xf32, #tpu.memory_space<hbm>> -> memref<1x8192xf32, #tpu.memory_space<hbm>>
        %dma_start3A_342 = tpu.memref_squeeze %dma_start3A_341 : memref<1x8192xf32, #tpu.memory_space<hbm>> -> memref<8192xf32, #tpu.memory_space<hbm>>
        tpu.enqueue_dma source(%dma_start3A_342 : memref<8192xf32, #tpu.memory_space<hbm>>) target(%dma_start3A_340 : memref<8192xf32, #tpu.memory_space<vmem>>) target_semaphore(%arg19 : memref<!tpu.dma_semaphore, #tpu.memory_space<semaphore_mem>>)
      } else {
      }
      %mul3A_311 = arith.constant 8192 : i32
      %mul3A_312 = arith.muli %add3A_270, %mul3A_311 : i32
      %add3A_313 = arith.addi %mul3A_11, %mul3A_312 : i32
      %dma_start3A_314 = tpu.memref_slice %arg5[%add3A_313] : memref<8388608xf32, #tpu.memory_space<hbm>> -> memref<8192xf32, #tpu.memory_space<hbm>>
      %dma_start3A_315 = tpu.memref_slice %arg5[%add3A_313] : memref<8388608xf32, #tpu.memory_space<hbm>> -> memref<8192xf32, #tpu.memory_space<hbm>>
      tpu.enqueue_dma source(%arg15 : memref<8192xf32, #tpu.memory_space<vmem>>) target(%dma_start3A_315 : memref<8192xf32, #tpu.memory_space<hbm>>) target_semaphore(%arg23 : memref<!tpu.dma_semaphore, #tpu.memory_space<semaphore_mem>>)
    }
    %scan3A_112 = arith.constant 8 : i32
    %add3A_113 = arith.constant 229376 : i32
    %add3A_114 = arith.addi %mul3A_11, %add3A_113 : i32
    %dma_wait3A = tpu.memref_slice %arg5[%add3A_114] : memref<8388608xf32, #tpu.memory_space<hbm>> -> memref<8192xf32, #tpu.memory_space<hbm>>
    %dma_wait3A_115 = tpu.memref_slice %arg5[%add3A_114] : memref<8388608xf32, #tpu.memory_space<hbm>> -> memref<8192xf32, #tpu.memory_space<hbm>>
    tpu.wait_dma2 semaphore(%arg20 : memref<!tpu.dma_semaphore, #tpu.memory_space<semaphore_mem>>) src(%arg12 : memref<8192xf32, #tpu.memory_space<vmem>>) dst(%dma_wait3A_115 : memref<8192xf32, #tpu.memory_space<hbm>>)
    %add3A_116 = arith.constant 237568 : i32
    %add3A_117 = arith.addi %mul3A_11, %add3A_116 : i32
    %dma_wait3A_118 = tpu.memref_slice %arg5[%add3A_117] : memref<8388608xf32, #tpu.memory_space<hbm>> -> memref<8192xf32, #tpu.memory_space<hbm>>
    %dma_wait3A_119 = tpu.memref_slice %arg5[%add3A_117] : memref<8388608xf32, #tpu.memory_space<hbm>> -> memref<8192xf32, #tpu.memory_space<hbm>>
    tpu.wait_dma2 semaphore(%arg21 : memref<!tpu.dma_semaphore, #tpu.memory_space<semaphore_mem>>) src(%arg13 : memref<8192xf32, #tpu.memory_space<vmem>>) dst(%dma_wait3A_119 : memref<8192xf32, #tpu.memory_space<hbm>>)
    %add3A_120 = arith.constant 245760 : i32
    %add3A_121 = arith.addi %mul3A_11, %add3A_120 : i32
    %dma_wait3A_122 = tpu.memref_slice %arg5[%add3A_121] : memref<8388608xf32, #tpu.memory_space<hbm>> -> memref<8192xf32, #tpu.memory_space<hbm>>
    %dma_wait3A_123 = tpu.memref_slice %arg5[%add3A_121] : memref<8388608xf32, #tpu.memory_space<hbm>> -> memref<8192xf32, #tpu.memory_space<hbm>>
    tpu.wait_dma2 semaphore(%arg22 : memref<!tpu.dma_semaphore, #tpu.memory_space<semaphore_mem>>) src(%arg14 : memref<8192xf32, #tpu.memory_space<vmem>>) dst(%dma_wait3A_123 : memref<8192xf32, #tpu.memory_space<hbm>>)
    %add3A_124 = arith.constant 253952 : i32
    %add3A_125 = arith.addi %mul3A_11, %add3A_124 : i32
    %dma_wait3A_126 = tpu.memref_slice %arg5[%add3A_125] : memref<8388608xf32, #tpu.memory_space<hbm>> -> memref<8192xf32, #tpu.memory_space<hbm>>
    %dma_wait3A_127 = tpu.memref_slice %arg5[%add3A_125] : memref<8388608xf32, #tpu.memory_space<hbm>> -> memref<8192xf32, #tpu.memory_space<hbm>>
    tpu.wait_dma2 semaphore(%arg23 : memref<!tpu.dma_semaphore, #tpu.memory_space<semaphore_mem>>) src(%arg15 : memref<8192xf32, #tpu.memory_space<vmem>>) dst(%dma_wait3A_127 : memref<8192xf32, #tpu.memory_space<hbm>>)
    return
  }
}

</mosaic_0001>

<sc_bundles>
// kernel: kernel.3.cloned.1.call-start
scs
__scs_entry_jumppad:
0x0: {  	(pc) =	sbr.rel $0x88, $3  }
0x1: {  	(tag) =	ssettag $0x0;
	lr =	simm.s32 $0x1  }
0x2: {  	[smem:$0x3F9E] =	sst lr;
	_ =	strace $0xD0000000  }
0x3: {  	_ = 	snop  }
0x4: {  	_ = 	snop  }
0x5: {  	_ = 	snop  }
0x6: {  	_ = 	snop  }
0x7: {  	_ = 	snop  }
__scs_overlays_trampoline_lowered:
0x8: {  	[smem:$0x3FAD] =	sst s0  }
0x9: {  	[smem:$0x3FAE] =	sst s1  }
0xa: {  	[smem:$0x3FAF] =	sst s2  }
0xb: {  	[smem:$0x3FB0] =	sst s3  }
0xc: {  	[smem:$0x3FB1] =	sst s4  }
0xd: {  	[smem:$0x3FB2] =	sst s5  }
0xe: {  	[smem:$0x3FB3] =	sst s6  }
0xf: {  	[smem:$0x3FB4] =	sst s7  }
0x10: {  	[smem:$0x3FB5] =	sst s8  }
0x11: {  	[smem:$0x3FB6] =	sst s9;
	s0 =	simm.s32 @!p0 $0x0  }
0x12: {  	s1 =	sld [smem:$0x3F9C];
	s0 =	simm.s32 @p0 $0x1  }
0x13: {  	[smem:$0x3FB7] =	sst s0;
	s0 =	simm.s32 @!p1 $0x0  }
0x14: {  	s2 =	sld [smem:$0x3F9B];
	s0 =	simm.s32 @p1 $0x1  }
0x15: {  	[smem:$0x3FB8] =	sst s0;
	s0 =	simm.s32 @!p2 $0x0  }
0x16: {  	s3 =	sld [smem:$0x3FDB];
	s0 =	simm.s32 @p2 $0x1  }
0x17: {  	s4 =	simm.s32 $0x1BF5;
	[smem:$0x3FBA] =	sst s0  }
0x18: {  	s0 =	sld [smem:$0x3F9D];
	_ =	swait.ge [sflag:s4], $0x0  }
0x19: {  	s7 =	sld [smem:$0x3F9E]  }
0x1a: {  	s8 =	sadd.s32 $0xFFFFE003, lr  }
0x1b: {  	s9 =	sadd.s32 $0xFFFFFEF7, lr;
	s5 =	simm.s32 $0xFFFFFFFF;
	p2 =	slt.u32 s8, $0xFFFFF086  }
0x1c: {  	p1 =	slt.u32 s9, $0xF7A;
	s5 =	simm.s32 @!p2 $0x0  }
0x1d: {  	s5 =	simm.s32 @p1 $0x1;
	p0 =	seq.s32 s7, s2  }
0x1e: {  	s7 =	smul.u32 @!p0 $0xF7A, s2;
	p2 =	seq.s32 @!p0 s5, $0x0  }
0x1f: {  	s9 =	smul.u32 $0xF7A, s1;
	s8 =	simm.s32 @!p0 $0x1BF5;
	p2 =	por !p2, p0  }
0x20: {  	[sflag:s8] =	ssyncset.s32 @!p0 $0xFFFFF086;
	s6 =	sadd.s32 @!p0 s3, s7;
	s7 =	simm.s32 @!p0 $0x108  }
0x21: {  	s3 =	sadd.s32 s3, s9;
	s6 =	sadd.s32 @!p0 $0x88, s6;
	s7 =	simm.s32 @p2 $0x1082  }
0x22: {  	[simem:s7], [sflag:s8] =	dma.local @!p0 [hbm:s6], $0xF7A  }
0x23: {  	s9 =	sor.u32 $0xD0000000, s2;
	s6 =	simm.s32 $0x108;
	_ =	swait.ge @!p0 [sflag:s8], $0x0  }
0x24: {  	s3 =	sadd.s32 $0x88, s3;
	s6 =	simm.s32 @!p1 $0x1082;
	[sflag:s4] =	ssyncset.s32 $0xFFFFF086  }
0x25: {  	[simem:s6], [sflag:s4] =	dma.local [hbm:s3], $0xF7A  }
0x26: {  	[smem:$0x3F9E] =	sst s1;
	(tag) =	ssettag s2;
	_ =	strace s9  }
0x27: {  	s1 =	sld [smem:$0x3FAE]  }
0x28: {  	s2 =	sld [smem:$0x3FAF]  }
0x29: {  	s4 =	sld [smem:$0x3FB1]  }
0x2a: {  	p0 =	seq.s32 s5, $0x0;
	s5 =	sld [smem:$0x3FB2]  }
0x2b: {  	s6 =	sld [smem:$0x3FB3]  }
0x2c: {  	s7 =	sld [smem:$0x3FB4]  }
0x2d: {  	s3 =	simm.s32 $0x108;
	s8 =	sld [smem:$0x3FB5]  }
0x2e: {  	s3 =	simm.s32 @!p0 $0x1082;
	s9 =	sld [smem:$0x3FB6]  }
0x2f: {  	lr =	sadd.s32 s0, s3;
	s0 =	sld [smem:$0x3FAD]  }
0x30: {  	s3 =	sld [smem:$0x3FB0]  }
0x31: {  	[smem:$0x3FB9] =	sst s10  }
0x32: {  	s10 =	sld [smem:$0x3FB7];
	_ =	sdelay $0x3  }
0x33: {  	p0 =	seq.s32 s10, $0x1;
	s10 =	sld [smem:$0x3FB9];
	_ =	sdelay $0x3  }
0x34: {  	[smem:$0x3FB9] =	sst s10  }
0x35: {  	s10 =	sld [smem:$0x3FB8];
	_ =	sdelay $0x3  }
0x36: {  	p1 =	seq.s32 s10, $0x1;
	s10 =	sld [smem:$0x3FB9];
	_ =	sdelay $0x3  }
0x37: {  	[smem:$0x3FB9] =	sst s10  }
0x38: {  	s10 =	sld [smem:$0x3FBA]  }
0x39: {  	_ = 	snop;
	(pc) =	sbr.ind lr, $3  }
0x3a: {  	_ = 	snop  }
0x3b: {  	_ = 	snop  }
0x3c: {  	p2 =	seq.s32 s10, $0x1;
	s10 =	sld [smem:$0x3FB9]  }
0x3d: {  	_ =	shalt  }
0x3e: {  	_ =	shalt  }
0x3f: {  	_ =	shalt  }
0x40: {  	_ =	shalt  }
0x41: {  	_ =	shalt  }
0x42: {  	_ =	shalt  }
0x43: {  	_ =	shalt  }
0x44: {  	_ =	shalt  }
0x45: {  	_ =	shalt  }
0x46: {  	_ =	shalt  }
0x47: {  	_ =	shalt  }
0x48: {  	_ =	shalt  }
0x49: {  	_ =	shalt  }
0x4a: {  	_ =	shalt  }
0x4b: {  	_ =	shalt  }
0x4c: {  	_ =	shalt  }
0x4d: {  	_ =	shalt  }
0x4e: {  	_ =	shalt  }
0x4f: {  	_ =	shalt  }
0x50: {  	_ =	shalt  }
0x51: {  	_ =	shalt  }
0x52: {  	_ =	shalt  }
0x53: {  	_ =	shalt  }
0x54: {  	_ =	shalt  }
0x55: {  	_ =	shalt  }
0x56: {  	_ =	shalt  }
0x57: {  	_ =	shalt  }
0x58: {  	_ =	shalt  }
0x59: {  	_ =	shalt  }
0x5a: {  	_ =	shalt  }
0x5b: {  	_ =	shalt  }
0x5c: {  	_ =	shalt  }
0x5d: {  	_ =	shalt  }
0x5e: {  	_ =	shalt  }
0x5f: {  	_ =	shalt  }
0x60: {  	_ =	shalt  }
0x61: {  	_ =	shalt  }
0x62: {  	_ =	shalt  }
0x63: {  	_ =	shalt  }
0x64: {  	_ =	shalt  }
0x65: {  	_ =	shalt  }
0x66: {  	_ =	shalt  }
0x67: {  	_ =	shalt  }
0x68: {  	_ =	shalt  }
0x69: {  	_ =	shalt  }
0x6a: {  	_ =	shalt  }
0x6b: {  	_ =	shalt  }
0x6c: {  	_ =	shalt  }
0x6d: {  	_ =	shalt  }
0x6e: {  	_ =	shalt  }
0x6f: {  	_ =	shalt  }
0x70: {  	_ =	shalt  }
0x71: {  	_ =	shalt  }
0x72: {  	_ =	shalt  }
0x73: {  	_ =	shalt  }
0x74: {  	_ =	shalt  }
0x75: {  	_ =	shalt  }
0x76: {  	_ =	shalt  }
0x77: {  	_ =	shalt  }
0x78: {  	_ =	shalt  }
0x79: {  	_ =	shalt  }
0x7a: {  	_ =	shalt  }
0x7b: {  	_ =	shalt  }
0x7c: {  	_ =	shalt  }
0x7d: {  	_ =	shalt  }
0x7e: {  	_ =	shalt  }
0x7f: {  	_ =	shalt  }
0x80: {  	_ =	shalt  }
0x81: {  	_ =	shalt  }
0x82: {  	_ =	shalt  }
0x83: {  	_ =	shalt  }
0x84: {  	_ =	shalt  }
0x85: {  	_ =	shalt  }
0x86: {  	_ =	shalt  }
0x87: {  	_ =	shalt  }
.Lfunc_end0:
.L_simem_size_0:
called_computation_lowered:
.L_overlay_start_0:
0x88: {  	s2 =	sld [smem:$0x3FD9]  }
0x89: {  	s3 =	sld [smem:$0x3FFE];
	_ =	sdelay $0x1  }
0x8a: {  	s1 =	srdreg.scid  }
0x8b: {  	s0 =	sand.u32 $0x1, s1  }
0x8c: {  	s17 =	sshll.u32 s0, $0xA;
	s2 =	sadd.s32 s3, s2  }
0x8d: {  	s2 =	sadd.s32 s2, s17  }
0x8e: {  	[smem:$0x3FC5] =	sst s2  }
0x8f: {  	_ = 	snop  }
0x90: {  	s2 =	sld [smem:$0x3FC8]  }
0x91: {  	s18 =	sld [smem:$0x3FD0];
	(tm) =	ssettm $0x1  }
0x92: {  	s4 =	sld [smem:$0x3FFB];
	_ =	sdelay $0x3  }
0x93: {  	_ =	strace s4  }
0x94: {  	s4 =	sld [smem:$0x3FFC];
	_ =	sdelay $0x3  }
0x95: {  	_ =	strace s4  }
0x96: {  	s4 =	sld [smem:$0x3FFD];
	_ =	sdelay $0x3  }
0x97: {  	_ =	strace s4  }
0x98: {  	_ =	strace $0x8FFFFFFF  }
0x99: {  	s19 =	sld [smem:$0x3FDB];
	_ =	sdelay $0x1  }
0x9a: {  	s5 =	simm.s32 $_scs_section_size  }
0x9b: {  	s6 =	simm.s32 $_size__tile_overlayer_lowered;
	s7 =	simm.s32 $_tile_overlayer_lowered  }
0x9c: {  	s22 =	simm.s32 $0x1BFF;
	s21 =	sshll.u32 s7, $0x1;
	s4 =	sadd.s32 s5, s19  }
0x9d: {  	s8 =	simm.s32 $0x0;
	s20 =	sshll.u32 s6, $0x1;
	s6 =	sadd.s32 s21, s4  }
0x9e: {  	[timem:s8], [sflag:s22] =	dma.local [hbm:s6], s20  }
0x9f: {  	_ =	swait.ge [sflag:s22], s20  }
0xa0: {  	s5 =	ssub.s32 $0x0, s20;
	[sflag:s22] =	ssyncset.done $0x0  }
0xa1: {  	[sflag:s22] =	ssyncadd.s32 s5;
	_ =	sdelay $0x1  }
0xa2: {  	s23 =	simm.s32 $0x1B8B  }
0xa3: {  	_ =	swait.ge [sflag:s23], $0x1  }
0xa4: {  	[sflag:s23] =	ssyncset.done $0x0  }
0xa5: {  	s25 =	simm.s32 $0x1B8E;
	s24 =	sld [smem:$0x3FFE];
	[sflag:s23] =	ssyncadd.s32 $0xFFFFFFFF  }
0xa6: {  	s26 =	simm.s32 $execute0_lowered;
	[smem:$0x3FD2] =	sst s25  }
0xa7: {  	s6 =	sshll.u32 s26, $0x1;
	_ =	strace $0x80000046;
	[dreg:$0x1] =	wrdreg $0xFFFFFFFF  }
0xa8: {  	s28 =	simm.s32 $_size_execute0_lowered;
	s4 =	sadd.s32 s4, s6;
	[dreg:$0x0] =	wrdreg $0x0  }
0xa9: {  	s6 =	sshll.u32 s28, $0x1;
	[dreg:$0x2] =	wrdreg s4  }
0xaa: {  	[dreg:$0x3] =	wrdreg s6  }
0xab: {  	[dreg:$0x4] =	wrdreg $0xC0  }
0xac: {  	_ =	task [dreg:s8], $0x5FFFF  }
0xad: {  	[dreg:$0x1] =	wrdreg $0xFFFFFFFF  }
0xae: {  	[dreg:$0x0] =	wrdreg $0x60  }
0xaf: {  	[dreg:$0x2] =	wrdreg s24  }
0xb0: {  	[dreg:$0x3] =	wrdreg s2  }
0xb1: {  	[dreg:$0x4] =	wrdreg s18  }
0xb2: {  	[dreg:$0x5] =	wrdreg $0x9  }
0xb3: {  	_ =	task.clear_ibuf [dreg:s8], $0x6FFFF;
	_ =	strace $0x90000046  }
0xb4: {  	s29 =	simm.s32 $0x9;
	_ =	strace $0x80000048  }
0xb5: {  	_ =	swait.ge [sflag:s29], $0x1  }
0xb6: {  	[sflag:s29] =	ssyncadd.s32 $0xFFFFFFFF  }
0xb7: {  	_ =	strace $0x90000048  }
0xb8: {  	_ =	sfence  }
0xb9: {  	s30 =	sld [smem:$0x0];
	_ =	sdelay $0x2  }
0xba: {  	s31 =	sshll.u32 s1, $0xD;
	s1 =	sshrl.u32 s1, $0x2  }
0xbb: {  	s3 =	sand.u32 $0x4000, s31;
	s1 =	sadd.s32 s1, s30  }
0xbc: {  	s0 =	sor.u32 s3, s0;
	s1 =	sshll.u32 s1, $0x11  }
0xbd: {  	s0 =	sor.u32 s1, s0  }
0xbe: {  	s0 =	sadd.s32 $0x8F2B, s0  }
0xbf: {  	[sflag:s0] =	ssyncadd.remote.s32 $0x1  }
0xc0: {  	_ =	sfence.sel $0xFFFF  }
0xc1: {  	[dreg:$0x0] =	wrdreg $0xFFFFFFFF;
	(pc) =	sbr.abs _section_cstart, $3  }
0xc2: {  	[dreg:$0x1] =	wrdreg $0xFFFFFFFF  }
0xc3: {  	_ =	task.clear_ibuf [dreg:s8], $0x2FFFF;
	_ =	strace $0x9FFFFFFF  }
0xc4: {  	(tm) =	ssettm $0x7FFFFFFF  }
0xc5: {  	_ =	shalt  }
tec
execute0_lowered:
.L_overlay_start_1:
0x0: {  	(tag) =	ssettag $0x1  }
0x1: {  	s7 =	rddreg [dreg:$0x0]  }
0x2: {  	s2 =	rddreg [dreg:$0x1]  }
0x3: {  	s4 =	rddreg [dreg:$0x2]  }
0x4: {  	s0 =	srdreg.scid;
	s5 =	simm.s32 $0x0;
	s1 =	stileid.u32  }
0x5: {  	s16 =	simm.s32 $0x9;
	s18 =	simm.s32 $0x1;
	s19 =	simm.s32 $0x10100  }
0x6: {  	s20 =	simm.s32 $0x2;
	s21 =	simm.s32 $0x12100;
	s22 =	simm.s32 $0x3  }
0x7: {  	s23 =	simm.s32 $0x14100;
	s24 =	simm.s32 $0x4;
	s25 =	simm.s32 $0x16100  }
0x8: {  	s31 =	simm.s32 $0x0;
	s0 =	sand.u32 $0x1, s0;
	[smem:$0x7FF] =	sst s5  }
0x9: {  	s1 =	sshll.u32 s1, $0x13;
	s29 =	sadd.s32 $0x200, s7;
	s3 =	sshll.u32 s0, $0x12  }
0xa: {  	_ =	strace $0x80000047;
	s0 =	ssub.s32 $0x2, s0;
	s6 =	sor.u32 s3, s1  }
.Ltmp0:
0xb: {  	s30 =	sshrl.u32 s0, $0x1;
	s3 =	sshll.u32 s6, $0x3;
	(pc) =	sbr.rel .LBB2_1-.Ltmp0, $4  }
0xc: {  	[dreg:$0x4] =	wrdreg s29;
	s0 =	ssub.s32 s0, s30;
	s9 =	sor.u32 $0x10000, s3  }
0xd: {  	s10 =	sor.u32 $0x20000, s3;
	s28 =	sor.u32 $0x30000, s3;
	s0 =	smax.u32 s0, $0x1  }
0xe: {  	s11 =	sor.u32 $0x40000, s3;
	s12 =	sor.u32 $0x50000, s3;
	[dreg:$0x6] =	wrdreg s0  }
0xf: {  	s13 =	sor.u32 $0x60000, s3;
	s14 =	sor.u32 $0x70000, s3;
	[dreg:$0x5] =	wrdreg s28  }
.LBB2_51:
0x10: {  	s0 =	simm.s32 $0x5  }
0x11: {  	_ =	swait.ge [sflag:s0], $0x2000  }
0x12: {  	[sflag:s0] =	ssyncset.done $0x0  }
0x13: {  	s26 =	simm.s32 $0x6;
	[sflag:s0] =	ssyncadd.s32 $0xFFFFE000  }
0x14: {  	_ =	swait.ge [sflag:s26], $0x2000  }
0x15: {  	[sflag:s26] =	ssyncset.done $0x0  }
0x16: {  	s29 =	simm.s32 $0x7;
	[sflag:s26] =	ssyncadd.s32 $0xFFFFE000  }
0x17: {  	_ =	swait.ge [sflag:s29], $0x2000  }
0x18: {  	[sflag:s29] =	ssyncset.done $0x0  }
0x19: {  	s1 =	simm.s32 $0x8;
	[sflag:s29] =	ssyncadd.s32 $0xFFFFE000  }
0x1a: {  	_ =	swait.ge [sflag:s1], $0x2000  }
0x1b: {  	s31 =	sadd.s32 $0x1, s31;
	s30 =	rddreg [dreg:$0x6]  }
0x1c: {  	p0 =	sne.s32 s31, s30  }
.Ltmp1:
0x1d: {  	_ = 	snop;
	(pc) =	sbr.rel @!p0 .LBB2_52-.Ltmp1, $3  }
0x1e: {  	_ =	sdelay $0x1  }
0x1f: {  	[sflag:s1] =	ssyncset.done $0x0  }
0x20: {  	s28 =	rddreg [dreg:$0x5];
	[sflag:s1] =	ssyncadd.s32 $0xFFFFE000  }
.LBB2_1:
0x21: {  	s0 =	rddreg [dreg:$0x0]  }
0x22: {  	[tilespmem:s5], [sflag:$0x9] =	stream.linear.gather [hbm4b:s0+s5], $0x80, $0x38;
	[tilespmem:$0x18100] =	vst v63  }
0x23: {  	_ =	swait.ge [sflag:s16], $0x80  }
0x24: {  	[sflag:s16] =	ssyncset.done $0x0  }
0x25: {  	s1 =	simm.s32 $0x80;
	s29 =	rddreg [dreg:$0x4];
	[sflag:s16] =	ssyncadd.s32 $0xFFFFFF80  }
0x26: {  	[tilespmem:s1], [sflag:$0x9] =	stream.linear.gather [hbm4b:s29+s5], $0x80, $0x38;
	[tilespmem:$0x18100] =	vst v63  }
0x27: {  	_ =	swait.ge [sflag:s16], $0x80  }
0x28: {  	[sflag:s16] =	ssyncset.done $0x0  }
0x29: {  	[sflag:s16] =	ssyncadd.s32 $0xFFFFFF80  }
0x2a: {  	v0 =	vld [tilespmem:$0x0];
	_ =	sdelay $0x4  }
0x2b: {  	(v2sf) =	vpush v0, $0x0;
	_ =	sdelay $0xe  }
0x2c: {  	s1 =	spop (v2sf)  }
0x2d: {  	s30 =	sshll.u32 s1, $0x17;
	s3 =	sshll.u32 s1, $0x7  }
0x2e: {  	s0 =	sand.u32 $0xFC000000, s30;
	s3 =	sand.u32 $0x380, s3  }
0x2f: {  	v0 =	vld [tilespmem:$0x80];
	s0 =	sor.u32 s0, s3  }
0x30: {  	s3 =	sshrl.u32 s0, $0x3  }
0x31: {  	s3 =	sor.u32 s6, s3  }
0x32: {  	s7 =	simm.s32 $0x100;
	s3 =	sadd.s32 s2, s3  }
0x33: {  	s15 =	simm.s32 $0x80;
	s17 =	simm.s32 $0x200;
	s26 =	sadd.s32 $0x0, s3  }
.LBB2_2:
0x34: {  	[tilespmem:s7], [sflag:$0x1] =	stream.linear.gather [hbm4b:s26+s5], $0x80, $0x38;
	[tilespmem:$0x18100] =	vst v63  }
0x35: {  	s8 =	smov.u32 s15;
	s7 =	smov.u32 s17;
	p0 =	sne.s32 s15, $0x1F80  }
.Ltmp2:
0x36: {  	s15 =	sadd.s32 $0x80, s15;
	(pc) =	sbr.rel @p0 .LBB2_2-.Ltmp2, $2  }
0x37: {  	_ =	sdelay $0x2  }
0x38: {  	s17 =	sadd.s32 $0x100, s17;
	s26 =	sadd.s32 s8, s3  }
0x39: {  	[tilespmem:s7], [sflag:$0x1] =	stream.linear.gather [hbm4b:s26+s5], $0x80, $0x38;
	[tilespmem:$0x18100] =	vst v63  }
0x3a: {  	s1 =	sadd.s32 $0x1, s1  }
0x3b: {  	s3 =	sshll.u32 s1, $0x17;
	s1 =	sshll.u32 s1, $0x7  }
0x3c: {  	s3 =	sand.u32 $0xFC000000, s3;
	s1 =	sand.u32 $0x380, s1  }
0x3d: {  	s3 =	sor.u32 s3, s1  }
0x3e: {  	s1 =	sshrl.u32 s3, $0x3  }
0x3f: {  	s1 =	sor.u32 s6, s1  }
0x40: {  	s7 =	simm.s32 $0x180;
	s1 =	sadd.s32 s2, s1  }
0x41: {  	s15 =	simm.s32 $0x80;
	s17 =	simm.s32 $0x280;
	s26 =	sadd.s32 $0x0, s1  }
.LBB2_4:
0x42: {  	[tilespmem:s7], [sflag:$0x1] =	stream.linear.gather [hbm4b:s26+s5], $0x80, $0x38;
	[tilespmem:$0x18100] =	vst v63  }
0x43: {  	s8 =	smov.u32 s15;
	s7 =	smov.u32 s17;
	p0 =	sne.s32 s15, $0x1F80  }
.Ltmp3:
0x44: {  	s15 =	sadd.s32 $0x80, s15;
	(pc) =	sbr.rel @p0 .LBB2_4-.Ltmp3, $2  }
0x45: {  	_ =	sdelay $0x2  }
0x46: {  	s17 =	sadd.s32 $0x100, s17;
	s26 =	sadd.s32 s8, s1  }
0x47: {  	[tilespmem:s7], [sflag:$0x1] =	stream.linear.gather [hbm4b:s26+s5], $0x80, $0x38;
	[tilespmem:$0x18100] =	vst v63  }
0x48: {  	s1 =	sor.u32 s9, s0  }
0x49: {  	s1 =	sshrl.u32 s1, $0x3  }
0x4a: {  	s7 =	simm.s32 $0x4100;
	s1 =	sadd.s32 s2, s1  }
0x4b: {  	s15 =	simm.s32 $0x80;
	s17 =	simm.s32 $0x4200;
	s26 =	sadd.s32 $0x0, s1  }
.LBB2_6:
0x4c: {  	[tilespmem:s7], [sflag:$0x2] =	stream.linear.gather [hbm4b:s26+s5], $0x80, $0x38;
	[tilespmem:$0x18100] =	vst v63  }
0x4d: {  	s8 =	smov.u32 s15;
	s7 =	smov.u32 s17;
	p0 =	sne.s32 s15, $0x1F80  }
.Ltmp4:
0x4e: {  	s15 =	sadd.s32 $0x80, s15;
	(pc) =	sbr.rel @p0 .LBB2_6-.Ltmp4, $2  }
0x4f: {  	_ =	sdelay $0x2  }
0x50: {  	s17 =	sadd.s32 $0x100, s17;
	s26 =	sadd.s32 s8, s1  }
0x51: {  	[tilespmem:s7], [sflag:$0x2] =	stream.linear.gather [hbm4b:s26+s5], $0x80, $0x38;
	[tilespmem:$0x18100] =	vst v63  }
0x52: {  	s1 =	sor.u32 s9, s3  }
0x53: {  	s1 =	sshrl.u32 s1, $0x3  }
0x54: {  	s7 =	simm.s32 $0x4180;
	s1 =	sadd.s32 s2, s1  }
0x55: {  	s15 =	simm.s32 $0x80;
	s17 =	simm.s32 $0x4280;
	s26 =	sadd.s32 $0x0, s1  }
.LBB2_8:
0x56: {  	[tilespmem:s7], [sflag:$0x2] =	stream.linear.gather [hbm4b:s26+s5], $0x80, $0x38;
	[tilespmem:$0x18100] =	vst v63  }
0x57: {  	s8 =	smov.u32 s15;
	s7 =	smov.u32 s17;
	p0 =	sne.s32 s15, $0x1F80  }
.Ltmp5:
0x58: {  	s15 =	sadd.s32 $0x80, s15;
	(pc) =	sbr.rel @p0 .LBB2_8-.Ltmp5, $2  }
0x59: {  	_ =	sdelay $0x2  }
0x5a: {  	s17 =	sadd.s32 $0x100, s17;
	s26 =	sadd.s32 s8, s1  }
0x5b: {  	[tilespmem:s7], [sflag:$0x2] =	stream.linear.gather [hbm4b:s26+s5], $0x80, $0x38;
	[tilespmem:$0x18100] =	vst v63  }
0x5c: {  	s1 =	sor.u32 s10, s0  }
0x5d: {  	s1 =	sshrl.u32 s1, $0x3  }
0x5e: {  	s7 =	simm.s32 $0x8100;
	s1 =	sadd.s32 s2, s1  }
0x5f: {  	s15 =	simm.s32 $0x80;
	s17 =	simm.s32 $0x8200;
	s26 =	sadd.s32 $0x0, s1  }
.LBB2_10:
0x60: {  	[tilespmem:s7], [sflag:$0x3] =	stream.linear.gather [hbm4b:s26+s5], $0x80, $0x38;
	[tilespmem:$0x18100] =	vst v63  }
0x61: {  	s8 =	smov.u32 s15;
	s7 =	smov.u32 s17;
	p0 =	sne.s32 s15, $0x1F80  }
.Ltmp6:
0x62: {  	s15 =	sadd.s32 $0x80, s15;
	(pc) =	sbr.rel @p0 .LBB2_10-.Ltmp6, $2  }
0x63: {  	_ =	sdelay $0x2  }
0x64: {  	s17 =	sadd.s32 $0x100, s17;
	s26 =	sadd.s32 s8, s1  }
0x65: {  	[tilespmem:s7], [sflag:$0x3] =	stream.linear.gather [hbm4b:s26+s5], $0x80, $0x38;
	[tilespmem:$0x18100] =	vst v63  }
0x66: {  	s1 =	sor.u32 s10, s3  }
0x67: {  	s1 =	sshrl.u32 s1, $0x3  }
0x68: {  	s7 =	simm.s32 $0x8180;
	s1 =	sadd.s32 s2, s1  }
0x69: {  	s15 =	simm.s32 $0x80;
	s17 =	simm.s32 $0x8280;
	s26 =	sadd.s32 $0x0, s1  }
.LBB2_12:
0x6a: {  	[tilespmem:s7], [sflag:$0x3] =	stream.linear.gather [hbm4b:s26+s5], $0x80, $0x38;
	[tilespmem:$0x18100] =	vst v63  }
0x6b: {  	s8 =	smov.u32 s15;
	s7 =	smov.u32 s17;
	p0 =	sne.s32 s15, $0x1F80  }
.Ltmp7:
0x6c: {  	s15 =	sadd.s32 $0x80, s15;
	(pc) =	sbr.rel @p0 .LBB2_12-.Ltmp7, $2  }
0x6d: {  	_ =	sdelay $0x2  }
0x6e: {  	s17 =	sadd.s32 $0x100, s17;
	s26 =	sadd.s32 s8, s1  }
0x6f: {  	[tilespmem:s7], [sflag:$0x3] =	stream.linear.gather [hbm4b:s26+s5], $0x80, $0x38;
	[tilespmem:$0x18100] =	vst v63  }
0x70: {  	s1 =	sor.u32 s28, s0  }
0x71: {  	s1 =	sshrl.u32 s1, $0x3  }
0x72: {  	s7 =	simm.s32 $0xC100;
	s1 =	sadd.s32 s2, s1  }
0x73: {  	s15 =	simm.s32 $0x80;
	s17 =	simm.s32 $0xC200;
	s26 =	sadd.s32 $0x0, s1  }
.LBB2_14:
0x74: {  	[tilespmem:s7], [sflag:$0x4] =	stream.linear.gather [hbm4b:s26+s5], $0x80, $0x38;
	[tilespmem:$0x18100] =	vst v63  }
0x75: {  	s8 =	smov.u32 s15;
	s7 =	smov.u32 s17;
	p0 =	sne.s32 s15, $0x1F80  }
.Ltmp8:
0x76: {  	s15 =	sadd.s32 $0x80, s15;
	(pc) =	sbr.rel @p0 .LBB2_14-.Ltmp8, $2  }
0x77: {  	_ =	sdelay $0x2  }
0x78: {  	s17 =	sadd.s32 $0x100, s17;
	s26 =	sadd.s32 s8, s1  }
0x79: {  	[tilespmem:s7], [sflag:$0x4] =	stream.linear.gather [hbm4b:s26+s5], $0x80, $0x38;
	[tilespmem:$0x18100] =	vst v63  }
0x7a: {  	s1 =	sor.u32 s28, s3  }
0x7b: {  	s1 =	sshrl.u32 s1, $0x3  }
0x7c: {  	s7 =	simm.s32 $0xC180;
	s1 =	sadd.s32 s2, s1  }
0x7d: {  	s15 =	simm.s32 $0x80;
	s17 =	simm.s32 $0xC280;
	s26 =	sadd.s32 $0x0, s1  }
.LBB2_16:
0x7e: {  	[tilespmem:s7], [sflag:$0x4] =	stream.linear.gather [hbm4b:s26+s5], $0x80, $0x38;
	[tilespmem:$0x18100] =	vst v63  }
0x7f: {  	s8 =	smov.u32 s15;
	s7 =	smov.u32 s17;
	p0 =	seq.s32 s15, $0x1F80  }
.Ltmp9:
0x80: {  	s15 =	sadd.s32 $0x80, s15;
	(pc) =	sbr.rel @!p0 .LBB2_16-.Ltmp9, $2  }
0x81: {  	_ =	sdelay $0x2  }
0x82: {  	s17 =	sadd.s32 $0x100, s17;
	s26 =	sadd.s32 s8, s1  }
.Ltmp10:
0x83: {  	(pc) =	sbr.rel .LBB2_18-.Ltmp10, $3  }
0x84: {  	_ =	sdelay $0x1  }
0x85: {  	[tilespmem:s7], [sflag:$0x4] =	stream.linear.gather [hbm4b:s26+s5], $0x80, $0x38;
	[tilespmem:$0x18100] =	vst v63  }
0x86: {  	v1 =	vsub.f32 $1.000000000e+00, v0;
	s17 =	simm.s32 $0x0  }
.LBB2_50:
0x87: {  	s17 =	sadd.s32 $0x1, s17  }
0x88: {  	p0 =	sne.s32 s17, $0x8  }
.Ltmp11:
0x89: {  	_ = 	snop;
	(pc) =	sbr.rel @!p0 .LBB2_51-.Ltmp11, $3  }
0x8a: {  	_ =	sdelay $0x1  }
0x8b: {  	s1 =	sadd.s32 $0xC00, s7  }
0x8c: {  	[hbm4b:s1+s5] =	stream.linear.scatter [tilespmem:s25], [sflag:$0x8], $0x2000, $0x38;
	[tilespmem:$0x18100] =	vst v63  }
.LBB2_18:
0x8d: {  	_ =	swait.ge [sflag:s18], $0x2000  }
0x8e: {  	[sflag:s18] =	ssyncset.done $0x0  }
0x8f: {  	[sflag:s18] =	ssyncadd.s32 $0xFFFFE000  }
0x90: {  	_ =	swait.ge [sflag:s18], $0x2000  }
0x91: {  	p0 =	seq.s32 s17, $0x0;
	[sflag:s18] =	ssyncset.done $0x0  }
0x92: {  	s1 =	simm.s32 @!p0 $0x5;
	[sflag:s18] =	ssyncadd.s32 $0xFFFFE000  }
0x93: {  	_ =	swait.ge @!p0 [sflag:s1], $0x2000  }
0x94: {  	[sflag:s1] =	ssyncset.done @!p0 $0x0  }
0x95: {  	s8 =	simm.s32 $0x180;
	[sflag:s1] =	ssyncadd.s32 @!p0 $0xFFFFE000  }
0x96: {  	v2 =	vld [tilespmem:s8+$0xFFFFFFF0]  }
0x97: {  	v3 =	vld [tilespmem:s8+$0x70]  }
0x98: {  	v6 =	vld [tilespmem:s8+$0x0]  }
0x99: {  	v4 =	vld [tilespmem:s8+$0xFFFFFF90]  }
0x9a: {  	v5 =	vld [tilespmem:s8+$0x10]  }
0x9b: {  	v7 =	vld [tilespmem:s8+$0xFFFFFFA0]  }
0x9c: {  	v8 =	vld [tilespmem:s8+$0x20]  }
0x9d: {  	v9 =	vld [tilespmem:s8+$0xFFFFFFB0]  }
0x9e: {  	v10 =	vld [tilespmem:s8+$0x30]  }
0x9f: {  	v11 =	vld [tilespmem:s8+$0xFFFFFFC0];
	v2 =	vmul.f32 v2, v0;
	v3 =	vmul.f32 v3, v1  }
0xa0: {  	v13 =	vld [tilespmem:s8+$0x40];
	v12 =	vmul.f32 v4, v0;
	v5 =	vmul.f32 v5, v1  }
0xa1: {  	v7 =	vmul.f32 v7, v0;
	v8 =	vmul.f32 v8, v1;
	v4 =	vld [tilespmem:s8+$0xFFFFFFD0];
	v2 =	vadd.f32 v3, v2  }
0xa2: {  	s15 =	simm.s32 $0x10140;
	v12 =	vadd.f32 v5, v12;
	v3 =	vld [tilespmem:s8+$0x50]  }
0xa3: {  	v9 =	vmul.f32 v9, v0;
	v10 =	vmul.f32 v10, v1;
	v14 =	vadd.f32 v8, v7;
	v5 =	vld [tilespmem:s8+$0xFFFFFFE0];
	[tilespmem:s15+$0x30] =	vst v2  }
0xa4: {  	s7 =	sshll.u32 s17, $0xF;
	s26 =	simm.s32 $0x0;
	v2 =	vmul.f32 v6, v1;
	[tilespmem:s15+$0xFFFFFFD0] =	vst v12;
	v6 =	vld [tilespmem:s8+$0x60]  }
0xa5: {  	s28 =	simm.s32 $0x280;
	s7 =	sor.u32 s6, s7;
	s1 =	sshll.u32 s17, $0x12;
	v8 =	vmul.f32 v11, v0;
	v7 =	vld [tilespmem:s8+$0xFFFFFF80];
	v9 =	vadd.f32 v10, v9;
	v10 =	vmul.f32 v13, v1;
	[tilespmem:s15+$0xFFFFFFE0] =	vst v14  }
.LBB2_19:
0xa6: {  	v11 =	vld [tilespmem:s28+$0xFFFFFFF0];
	v4 =	vmul.f32 v4, v0  }
0xa7: {  	s26 =	sadd.s32 $0x8, s26;
	v12 =	vld [tilespmem:s28+$0x70];
	[tilespmem:s15+$0xFFFFFFF0] =	vst v9;
	v8 =	vadd.f32 v10, v8;
	v3 =	vmul.f32 v3, v1  }
0xa8: {  	p1 =	slt.u32 s26, $0x1F8;
	v9 =	vld [tilespmem:s28+$0x0];
	v5 =	vmul.f32 v5, v0  }
0xa9: {  	v10 =	vld [tilespmem:s28+$0xFFFFFF90];
	[tilespmem:s15+$0x0] =	vst v8;
	v3 =	vadd.f32 v3, v4;
	v4 =	vmul.f32 v6, v1  }
0xaa: {  	v6 =	vld [tilespmem:s28+$0x10];
	v7 =	vmul.f32 v7, v0  }
0xab: {  	v8 =	vld [tilespmem:s28+$0xFFFFFFA0];
	[tilespmem:s15+$0x10] =	vst v3;
	v3 =	vadd.f32 v4, v5  }
0xac: {  	v5 =	vmul.f32 v11, v0;
	v4 =	vld [tilespmem:s28+$0x20];
	v11 =	vmul.f32 v12, v1;
	v7 =	vadd.f32 v2, v7  }
0xad: {  	v2 =	vmul.f32 v9, v1;
	v9 =	vld [tilespmem:s28+$0xFFFFFFB0];
	[tilespmem:s15+$0x20] =	vst v3  }
0xae: {  	v3 =	vmul.f32 v10, v0;
	v10 =	vld [tilespmem:s28+$0x30];
	v5 =	vadd.f32 v11, v5;
	[tilespmem:s15+$0xFFFFFFC0] =	vst v7  }
0xaf: {  	s15 =	sadd.s32 $0x80, s15;
	v6 =	vmul.f32 v6, v1;
	v7 =	vld [tilespmem:s28+$0xFFFFFFC0]  }
0xb0: {  	v8 =	vmul.f32 v8, v0;
	v11 =	vld [tilespmem:s28+$0x40];
	[tilespmem:s15+$0x30] =	vst v5  }
.Ltmp12:
0xb1: {  	v5 =	vadd.f32 v6, v3;
	v6 =	vmul.f32 v4, v1;
	v4 =	vld [tilespmem:s28+$0xFFFFFFD0];
	(pc) =	sbr.rel @p1 .LBB2_19-.Ltmp12, $4  }
0xb2: {  	v9 =	vmul.f32 v9, v0;
	v3 =	vld [tilespmem:s28+$0x50]  }
0xb3: {  	[tilespmem:s15+$0xFFFFFFD0] =	vst v5;
	v12 =	vadd.f32 v6, v8;
	v10 =	vmul.f32 v10, v1;
	v5 =	vld [tilespmem:s28+$0xFFFFFFE0]  }
0xb4: {  	v8 =	vmul.f32 v7, v0;
	v6 =	vld [tilespmem:s28+$0x60]  }
0xb5: {  	v7 =	vld [tilespmem:s28+$0xFFFFFF80];
	[tilespmem:s15+$0xFFFFFFE0] =	vst v12;
	v9 =	vadd.f32 v10, v9;
	v10 =	vmul.f32 v11, v1;
	s28 =	sadd.s32 $0x100, s28  }
0xb6: {  	_ =	sdelay $0x1  }
0xb7: {  	v4 =	vmul.f32 v4, v0;
	v3 =	vmul.f32 v3, v1  }
0xb8: {  	p1 =	seq.s32 s17, $0x7;
	v8 =	vadd.f32 v10, v8;
	v5 =	vmul.f32 v5, v0;
	v6 =	vmul.f32 v6, v1  }
.Ltmp13:
0xb9: {  	[tilespmem:s15+$0xFFFFFFF0] =	vst v9;
	v3 =	vadd.f32 v3, v4;
	v63 =	vmul.f32 v7, v0;
	(pc) =	sbr.rel @p1 .LBB2_26-.Ltmp13, $4  }
0xba: {  	[tilespmem:s15+$0x0] =	vst v8;
	v5 =	vadd.f32 v6, v5  }
0xbb: {  	[tilespmem:s15+$0x10] =	vst v3;
	v2 =	vadd.f32 v2, v63  }
0xbc: {  	[tilespmem:s15+$0x20] =	vst v5  }
0xbd: {  	[tilespmem:s15+$0xFFFFFFC0] =	vst v2  }
0xbe: {  	s15 =	sadd.s32 s1, s11  }
0xbf: {  	s8 =	sadd.s32 s0, s15  }
0xc0: {  	s8 =	sshrl.u32 s8, $0x3  }
0xc1: {  	s28 =	simm.s32 $0x100;
	s26 =	sadd.s32 s2, s8  }
0xc2: {  	s29 =	simm.s32 $0x80;
	s30 =	simm.s32 $0x200;
	s8 =	sadd.s32 $0x0, s26  }
.LBB2_22:
0xc3: {  	[tilespmem:s28], [sflag:$0x1] =	stream.linear.gather [hbm4b:s8+s5], $0x80, $0x38;
	[tilespmem:$0x18100] =	vst v63  }
0xc4: {  	s8 =	smov.u32 s29;
	s28 =	smov.u32 s30;
	p2 =	sne.s32 s29, $0x1F80  }
.Ltmp14:
0xc5: {  	s29 =	sadd.s32 $0x80, s29;
	(pc) =	sbr.rel @p2 .LBB2_22-.Ltmp14, $2  }
0xc6: {  	_ =	sdelay $0x2  }
0xc7: {  	s30 =	sadd.s32 $0x100, s30;
	s8 =	sadd.s32 s8, s26  }
0xc8: {  	[tilespmem:s28], [sflag:$0x1] =	stream.linear.gather [hbm4b:s8+s5], $0x80, $0x38;
	[tilespmem:$0x18100] =	vst v63  }
0xc9: {  	s30 =	sadd.s32 s3, s15  }
0xca: {  	s8 =	sshrl.u32 s30, $0x3  }
0xcb: {  	s26 =	simm.s32 $0x180;
	s15 =	sadd.s32 s2, s8  }
0xcc: {  	s28 =	simm.s32 $0x80;
	s29 =	simm.s32 $0x280;
	s8 =	sadd.s32 $0x0, s15  }
.LBB2_24:
0xcd: {  	[tilespmem:s26], [sflag:$0x1] =	stream.linear.gather [hbm4b:s8+s5], $0x80, $0x38;
	[tilespmem:$0x18100] =	vst v63  }
0xce: {  	s8 =	smov.u32 s28;
	s26 =	smov.u32 s29;
	p2 =	sne.s32 s28, $0x1F80  }
.Ltmp15:
0xcf: {  	s28 =	sadd.s32 $0x80, s28;
	(pc) =	sbr.rel @p2 .LBB2_24-.Ltmp15, $2  }
0xd0: {  	_ =	sdelay $0x2  }
0xd1: {  	s29 =	sadd.s32 $0x100, s29;
	s8 =	sadd.s32 s8, s15  }
0xd2: {  	[tilespmem:s26], [sflag:$0x1] =	stream.linear.gather [hbm4b:s8+s5], $0x80, $0x38;
	[tilespmem:$0x18100] =	vst v63  }
.LBB2_26:
0xd3: {  	s7 =	sshrl.u32 s7, $0x3  }
0xd4: {  	s8 =	sadd.s32 s4, s7  }
0xd5: {  	[hbm4b:s8+s5] =	stream.linear.scatter [tilespmem:s19], [sflag:$0x5], $0x2000, $0x38;
	[tilespmem:$0x18100] =	vst v63  }
0xd6: {  	_ =	swait.ge [sflag:s20], $0x2000  }
0xd7: {  	[sflag:s20] =	ssyncset.done $0x0  }
0xd8: {  	[sflag:s20] =	ssyncadd.s32 $0xFFFFE000  }
0xd9: {  	_ =	swait.ge [sflag:s20], $0x2000  }
0xda: {  	[sflag:s20] =	ssyncset.done $0x0  }
0xdb: {  	s8 =	simm.s32 @!p0 $0x6;
	[sflag:s20] =	ssyncadd.s32 $0xFFFFE000  }
0xdc: {  	_ =	swait.ge @!p0 [sflag:s8], $0x2000  }
0xdd: {  	[sflag:s8] =	ssyncset.done @!p0 $0x0  }
0xde: {  	s30 =	simm.s32 $0x4180;
	[sflag:s8] =	ssyncadd.s32 @!p0 $0xFFFFE000  }
0xdf: {  	v2 =	vld [tilespmem:s30+$0xFFFFFFF0]  }
0xe0: {  	v3 =	vld [tilespmem:s30+$0x70]  }
0xe1: {  	v5 =	vld [tilespmem:s30+$0x0]  }
0xe2: {  	v4 =	vld [tilespmem:s30+$0xFFFFFF90]  }
0xe3: {  	v6 =	vld [tilespmem:s30+$0x10]  }
0xe4: {  	v7 =	vld [tilespmem:s30+$0xFFFFFFA0]  }
0xe5: {  	v8 =	vld [tilespmem:s30+$0x20]  }
0xe6: {  	v9 =	vld [tilespmem:s30+$0xFFFFFFB0]  }
0xe7: {  	v10 =	vld [tilespmem:s30+$0x30]  }
0xe8: {  	v11 =	vld [tilespmem:s30+$0xFFFFFFC0];
	v2 =	vmul.f32 v2, v0;
	v3 =	vmul.f32 v3, v1  }
0xe9: {  	v13 =	vld [tilespmem:s30+$0x40];
	v12 =	vmul.f32 v4, v0;
	v6 =	vmul.f32 v6, v1  }
0xea: {  	v7 =	vmul.f32 v7, v0;
	v8 =	vmul.f32 v8, v1;
	v4 =	vld [tilespmem:s30+$0xFFFFFFD0];
	v2 =	vadd.f32 v3, v2  }
0xeb: {  	s15 =	simm.s32 $0x12140;
	v12 =	vadd.f32 v6, v12;
	v3 =	vld [tilespmem:s30+$0x50]  }
0xec: {  	v9 =	vmul.f32 v9, v0;
	v10 =	vmul.f32 v10, v1;
	v14 =	vadd.f32 v8, v7;
	v6 =	vld [tilespmem:s30+$0xFFFFFFE0];
	[tilespmem:s15+$0x30] =	vst v2  }
0xed: {  	v7 =	vld [tilespmem:s30+$0x60];
	v8 =	vmul.f32 v11, v0;
	[tilespmem:s15+$0xFFFFFFD0] =	vst v12  }
0xee: {  	s26 =	simm.s32 $0x0;
	s28 =	simm.s32 $0x4280;
	v9 =	vadd.f32 v10, v9;
	v10 =	vmul.f32 v13, v1;
	v2 =	vmul.f32 v5, v1;
	v5 =	vld [tilespmem:s30+$0xFFFFFF80];
	[tilespmem:s15+$0xFFFFFFE0] =	vst v14  }
.LBB2_27:
0xef: {  	v11 =	vld [tilespmem:s28+$0xFFFFFFF0];
	v4 =	vmul.f32 v4, v0  }
0xf0: {  	s26 =	sadd.s32 $0x8, s26;
	v12 =	vld [tilespmem:s28+$0x70];
	[tilespmem:s15+$0xFFFFFFF0] =	vst v9;
	v8 =	vadd.f32 v10, v8;
	v3 =	vmul.f32 v3, v1  }
0xf1: {  	p2 =	slt.u32 s26, $0x1F8;
	v9 =	vld [tilespmem:s28+$0x0];
	v6 =	vmul.f32 v6, v0  }
0xf2: {  	v10 =	vld [tilespmem:s28+$0xFFFFFF90];
	[tilespmem:s15+$0x0] =	vst v8;
	v3 =	vadd.f32 v3, v4;
	v4 =	vmul.f32 v7, v1  }
0xf3: {  	v7 =	vld [tilespmem:s28+$0x10];
	v5 =	vmul.f32 v5, v0  }
0xf4: {  	v8 =	vld [tilespmem:s28+$0xFFFFFFA0];
	[tilespmem:s15+$0x10] =	vst v3;
	v3 =	vadd.f32 v4, v6  }
0xf5: {  	v6 =	vmul.f32 v11, v0;
	v4 =	vld [tilespmem:s28+$0x20];
	v11 =	vmul.f32 v12, v1;
	v5 =	vadd.f32 v2, v5  }
0xf6: {  	v2 =	vmul.f32 v9, v1;
	v9 =	vld [tilespmem:s28+$0xFFFFFFB0];
	[tilespmem:s15+$0x20] =	vst v3  }
0xf7: {  	v3 =	vmul.f32 v10, v0;
	v10 =	vld [tilespmem:s28+$0x30];
	v6 =	vadd.f32 v11, v6;
	[tilespmem:s15+$0xFFFFFFC0] =	vst v5  }
0xf8: {  	s15 =	sadd.s32 $0x80, s15;
	v5 =	vmul.f32 v7, v1;
	v7 =	vld [tilespmem:s28+$0xFFFFFFC0]  }
0xf9: {  	v8 =	vmul.f32 v8, v0;
	v11 =	vld [tilespmem:s28+$0x40];
	[tilespmem:s15+$0x30] =	vst v6  }
.Ltmp16:
0xfa: {  	v5 =	vadd.f32 v5, v3;
	v6 =	vmul.f32 v4, v1;
	v4 =	vld [tilespmem:s28+$0xFFFFFFD0];
	(pc) =	sbr.rel @p2 .LBB2_27-.Ltmp16, $4  }
0xfb: {  	v9 =	vmul.f32 v9, v0;
	v3 =	vld [tilespmem:s28+$0x50]  }
0xfc: {  	[tilespmem:s15+$0xFFFFFFD0] =	vst v5;
	v12 =	vadd.f32 v6, v8;
	v10 =	vmul.f32 v10, v1;
	v6 =	vld [tilespmem:s28+$0xFFFFFFE0]  }
0xfd: {  	v8 =	vmul.f32 v7, v0;
	v7 =	vld [tilespmem:s28+$0x60]  }
0xfe: {  	v5 =	vld [tilespmem:s28+$0xFFFFFF80];
	[tilespmem:s15+$0xFFFFFFE0] =	vst v12;
	v9 =	vadd.f32 v10, v9;
	v10 =	vmul.f32 v11, v1;
	s28 =	sadd.s32 $0x100, s28  }
0xff: {  	_ =	sdelay $0x1  }
0x100: {  	v4 =	vmul.f32 v4, v0;
	v3 =	vmul.f32 v3, v1  }
0x101: {  	v8 =	vadd.f32 v10, v8;
	v6 =	vmul.f32 v6, v0;
	v7 =	vmul.f32 v7, v1  }
.Ltmp17:
0x102: {  	[tilespmem:s15+$0xFFFFFFF0] =	vst v9;
	v3 =	vadd.f32 v3, v4;
	v62 =	vmul.f32 v5, v0;
	(pc) =	sbr.rel @p1 .LBB2_34-.Ltmp17, $4  }
0x103: {  	[tilespmem:s15+$0x0] =	vst v8;
	v63 =	vadd.f32 v7, v6  }
0x104: {  	[tilespmem:s15+$0x10] =	vst v3;
	v2 =	vadd.f32 v2, v62  }
0x105: {  	[tilespmem:s15+$0x20] =	vst v63  }
0x106: {  	[tilespmem:s15+$0xFFFFFFC0] =	vst v2  }
0x107: {  	s15 =	sadd.s32 s1, s12  }
0x108: {  	s8 =	sadd.s32 s0, s15  }
0x109: {  	s8 =	sshrl.u32 s8, $0x3  }
0x10a: {  	s28 =	simm.s32 $0x4100;
	s26 =	sadd.s32 s2, s8  }
0x10b: {  	s29 =	simm.s32 $0x80;
	s30 =	simm.s32 $0x4200;
	s8 =	sadd.s32 $0x0, s26  }
.LBB2_30:
0x10c: {  	[tilespmem:s28], [sflag:$0x2] =	stream.linear.gather [hbm4b:s8+s5], $0x80, $0x38;
	[tilespmem:$0x18100] =	vst v63  }
0x10d: {  	s8 =	smov.u32 s29;
	s28 =	smov.u32 s30;
	p2 =	sne.s32 s29, $0x1F80  }
.Ltmp18:
0x10e: {  	s29 =	sadd.s32 $0x80, s29;
	(pc) =	sbr.rel @p2 .LBB2_30-.Ltmp18, $2  }
0x10f: {  	_ =	sdelay $0x2  }
0x110: {  	s30 =	sadd.s32 $0x100, s30;
	s8 =	sadd.s32 s8, s26  }
0x111: {  	[tilespmem:s28], [sflag:$0x2] =	stream.linear.gather [hbm4b:s8+s5], $0x80, $0x38;
	[tilespmem:$0x18100] =	vst v63  }
0x112: {  	s30 =	sadd.s32 s3, s15  }
0x113: {  	s8 =	sshrl.u32 s30, $0x3  }
0x114: {  	s26 =	simm.s32 $0x4180;
	s15 =	sadd.s32 s2, s8  }
0x115: {  	s28 =	simm.s32 $0x80;
	s29 =	simm.s32 $0x4280;
	s8 =	sadd.s32 $0x0, s15  }
.LBB2_32:
0x116: {  	[tilespmem:s26], [sflag:$0x2] =	stream.linear.gather [hbm4b:s8+s5], $0x80, $0x38;
	[tilespmem:$0x18100] =	vst v63  }
0x117: {  	s8 =	smov.u32 s28;
	s26 =	smov.u32 s29;
	p2 =	sne.s32 s28, $0x1F80  }
.Ltmp19:
0x118: {  	s28 =	sadd.s32 $0x80, s28;
	(pc) =	sbr.rel @p2 .LBB2_32-.Ltmp19, $2  }
0x119: {  	_ =	sdelay $0x2  }
0x11a: {  	s29 =	sadd.s32 $0x100, s29;
	s8 =	sadd.s32 s8, s15  }
0x11b: {  	[tilespmem:s26], [sflag:$0x2] =	stream.linear.gather [hbm4b:s8+s5], $0x80, $0x38;
	[tilespmem:$0x18100] =	vst v63  }
.LBB2_34:
0x11c: {  	s7 =	sadd.s32 s7, s4  }
0x11d: {  	s8 =	sadd.s32 $0x400, s7  }
0x11e: {  	[hbm4b:s8+s5] =	stream.linear.scatter [tilespmem:s21], [sflag:$0x6], $0x2000, $0x38;
	[tilespmem:$0x18100] =	vst v63  }
0x11f: {  	_ =	swait.ge [sflag:s22], $0x2000  }
0x120: {  	[sflag:s22] =	ssyncset.done $0x0  }
0x121: {  	[sflag:s22] =	ssyncadd.s32 $0xFFFFE000  }
0x122: {  	_ =	swait.ge [sflag:s22], $0x2000  }
0x123: {  	[sflag:s22] =	ssyncset.done $0x0  }
0x124: {  	s8 =	simm.s32 @!p0 $0x7;
	[sflag:s22] =	ssyncadd.s32 $0xFFFFE000  }
0x125: {  	_ =	swait.ge @!p0 [sflag:s8], $0x2000  }
0x126: {  	[sflag:s8] =	ssyncset.done @!p0 $0x0  }
0x127: {  	s30 =	simm.s32 $0x8180;
	[sflag:s8] =	ssyncadd.s32 @!p0 $0xFFFFE000  }
0x128: {  	v2 =	vld [tilespmem:s30+$0xFFFFFFF0]  }
0x129: {  	v3 =	vld [tilespmem:s30+$0x70]  }
0x12a: {  	v5 =	vld [tilespmem:s30+$0x0]  }
0x12b: {  	v4 =	vld [tilespmem:s30+$0xFFFFFF90]  }
0x12c: {  	v6 =	vld [tilespmem:s30+$0x10]  }
0x12d: {  	v7 =	vld [tilespmem:s30+$0xFFFFFFA0]  }
0x12e: {  	v8 =	vld [tilespmem:s30+$0x20]  }
0x12f: {  	v9 =	vld [tilespmem:s30+$0xFFFFFFB0]  }
0x130: {  	v10 =	vld [tilespmem:s30+$0x30]  }
0x131: {  	v11 =	vld [tilespmem:s30+$0xFFFFFFC0];
	v2 =	vmul.f32 v2, v0;
	v3 =	vmul.f32 v3, v1  }
0x132: {  	v13 =	vld [tilespmem:s30+$0x40];
	v12 =	vmul.f32 v4, v0;
	v6 =	vmul.f32 v6, v1  }
0x133: {  	v7 =	vmul.f32 v7, v0;
	v8 =	vmul.f32 v8, v1;
	v4 =	vld [tilespmem:s30+$0xFFFFFFD0];
	v2 =	vadd.f32 v3, v2  }
0x134: {  	s15 =	simm.s32 $0x14140;
	v12 =	vadd.f32 v6, v12;
	v3 =	vld [tilespmem:s30+$0x50]  }
0x135: {  	v9 =	vmul.f32 v9, v0;
	v10 =	vmul.f32 v10, v1;
	v14 =	vadd.f32 v8, v7;
	v6 =	vld [tilespmem:s30+$0xFFFFFFE0];
	[tilespmem:s15+$0x30] =	vst v2  }
0x136: {  	v7 =	vld [tilespmem:s30+$0x60];
	v8 =	vmul.f32 v11, v0;
	[tilespmem:s15+$0xFFFFFFD0] =	vst v12  }
0x137: {  	s26 =	simm.s32 $0x0;
	s28 =	simm.s32 $0x8280;
	v9 =	vadd.f32 v10, v9;
	v10 =	vmul.f32 v13, v1;
	v2 =	vmul.f32 v5, v1;
	v5 =	vld [tilespmem:s30+$0xFFFFFF80];
	[tilespmem:s15+$0xFFFFFFE0] =	vst v14  }
.LBB2_35:
0x138: {  	v11 =	vld [tilespmem:s28+$0xFFFFFFF0];
	v4 =	vmul.f32 v4, v0  }
0x139: {  	s26 =	sadd.s32 $0x8, s26;
	v12 =	vld [tilespmem:s28+$0x70];
	[tilespmem:s15+$0xFFFFFFF0] =	vst v9;
	v8 =	vadd.f32 v10, v8;
	v3 =	vmul.f32 v3, v1  }
0x13a: {  	p2 =	slt.u32 s26, $0x1F8;
	v9 =	vld [tilespmem:s28+$0x0];
	v6 =	vmul.f32 v6, v0  }
0x13b: {  	v10 =	vld [tilespmem:s28+$0xFFFFFF90];
	[tilespmem:s15+$0x0] =	vst v8;
	v3 =	vadd.f32 v3, v4;
	v4 =	vmul.f32 v7, v1  }
0x13c: {  	v7 =	vld [tilespmem:s28+$0x10];
	v5 =	vmul.f32 v5, v0  }
0x13d: {  	v8 =	vld [tilespmem:s28+$0xFFFFFFA0];
	[tilespmem:s15+$0x10] =	vst v3;
	v3 =	vadd.f32 v4, v6  }
0x13e: {  	v6 =	vmul.f32 v11, v0;
	v4 =	vld [tilespmem:s28+$0x20];
	v11 =	vmul.f32 v12, v1;
	v5 =	vadd.f32 v2, v5  }
0x13f: {  	v2 =	vmul.f32 v9, v1;
	v9 =	vld [tilespmem:s28+$0xFFFFFFB0];
	[tilespmem:s15+$0x20] =	vst v3  }
0x140: {  	v3 =	vmul.f32 v10, v0;
	v10 =	vld [tilespmem:s28+$0x30];
	v6 =	vadd.f32 v11, v6;
	[tilespmem:s15+$0xFFFFFFC0] =	vst v5  }
0x141: {  	s15 =	sadd.s32 $0x80, s15;
	v5 =	vmul.f32 v7, v1;
	v7 =	vld [tilespmem:s28+$0xFFFFFFC0]  }
0x142: {  	v8 =	vmul.f32 v8, v0;
	v11 =	vld [tilespmem:s28+$0x40];
	[tilespmem:s15+$0x30] =	vst v6  }
.Ltmp20:
0x143: {  	v5 =	vadd.f32 v5, v3;
	v6 =	vmul.f32 v4, v1;
	v4 =	vld [tilespmem:s28+$0xFFFFFFD0];
	(pc) =	sbr.rel @p2 .LBB2_35-.Ltmp20, $4  }
0x144: {  	v9 =	vmul.f32 v9, v0;
	v3 =	vld [tilespmem:s28+$0x50]  }
0x145: {  	[tilespmem:s15+$0xFFFFFFD0] =	vst v5;
	v12 =	vadd.f32 v6, v8;
	v10 =	vmul.f32 v10, v1;
	v6 =	vld [tilespmem:s28+$0xFFFFFFE0]  }
0x146: {  	v8 =	vmul.f32 v7, v0;
	v7 =	vld [tilespmem:s28+$0x60]  }
0x147: {  	v5 =	vld [tilespmem:s28+$0xFFFFFF80];
	[tilespmem:s15+$0xFFFFFFE0] =	vst v12;
	v9 =	vadd.f32 v10, v9;
	v10 =	vmul.f32 v11, v1;
	s28 =	sadd.s32 $0x100, s28  }
0x148: {  	_ =	sdelay $0x1  }
0x149: {  	v4 =	vmul.f32 v4, v0;
	v3 =	vmul.f32 v3, v1  }
0x14a: {  	v8 =	vadd.f32 v10, v8;
	v6 =	vmul.f32 v6, v0;
	v7 =	vmul.f32 v7, v1  }
.Ltmp21:
0x14b: {  	[tilespmem:s15+$0xFFFFFFF0] =	vst v9;
	v3 =	vadd.f32 v3, v4;
	v62 =	vmul.f32 v5, v0;
	(pc) =	sbr.rel @p1 .LBB2_42-.Ltmp21, $4  }
0x14c: {  	[tilespmem:s15+$0x0] =	vst v8;
	v63 =	vadd.f32 v7, v6  }
0x14d: {  	[tilespmem:s15+$0x10] =	vst v3;
	v2 =	vadd.f32 v2, v62  }
0x14e: {  	[tilespmem:s15+$0x20] =	vst v63  }
0x14f: {  	[tilespmem:s15+$0xFFFFFFC0] =	vst v2  }
0x150: {  	s15 =	sadd.s32 s1, s13  }
0x151: {  	s8 =	sadd.s32 s0, s15  }
0x152: {  	s8 =	sshrl.u32 s8, $0x3  }
0x153: {  	s28 =	simm.s32 $0x8100;
	s26 =	sadd.s32 s2, s8  }
0x154: {  	s29 =	simm.s32 $0x80;
	s30 =	simm.s32 $0x8200;
	s8 =	sadd.s32 $0x0, s26  }
.LBB2_38:
0x155: {  	[tilespmem:s28], [sflag:$0x3] =	stream.linear.gather [hbm4b:s8+s5], $0x80, $0x38;
	[tilespmem:$0x18100] =	vst v63  }
0x156: {  	s8 =	smov.u32 s29;
	s28 =	smov.u32 s30;
	p2 =	sne.s32 s29, $0x1F80  }
.Ltmp22:
0x157: {  	s29 =	sadd.s32 $0x80, s29;
	(pc) =	sbr.rel @p2 .LBB2_38-.Ltmp22, $2  }
0x158: {  	_ =	sdelay $0x2  }
0x159: {  	s30 =	sadd.s32 $0x100, s30;
	s8 =	sadd.s32 s8, s26  }
0x15a: {  	[tilespmem:s28], [sflag:$0x3] =	stream.linear.gather [hbm4b:s8+s5], $0x80, $0x38;
	[tilespmem:$0x18100] =	vst v63  }
0x15b: {  	s30 =	sadd.s32 s3, s15  }
0x15c: {  	s8 =	sshrl.u32 s30, $0x3  }
0x15d: {  	s26 =	simm.s32 $0x8180;
	s15 =	sadd.s32 s2, s8  }
0x15e: {  	s28 =	simm.s32 $0x80;
	s29 =	simm.s32 $0x8280;
	s8 =	sadd.s32 $0x0, s15  }
.LBB2_40:
0x15f: {  	[tilespmem:s26], [sflag:$0x3] =	stream.linear.gather [hbm4b:s8+s5], $0x80, $0x38;
	[tilespmem:$0x18100] =	vst v63  }
0x160: {  	s8 =	smov.u32 s28;
	s26 =	smov.u32 s29;
	p2 =	sne.s32 s28, $0x1F80  }
.Ltmp23:
0x161: {  	s28 =	sadd.s32 $0x80, s28;
	(pc) =	sbr.rel @p2 .LBB2_40-.Ltmp23, $2  }
0x162: {  	_ =	sdelay $0x2  }
0x163: {  	s29 =	sadd.s32 $0x100, s29;
	s8 =	sadd.s32 s8, s15  }
0x164: {  	[tilespmem:s26], [sflag:$0x3] =	stream.linear.gather [hbm4b:s8+s5], $0x80, $0x38;
	[tilespmem:$0x18100] =	vst v63  }
.LBB2_42:
0x165: {  	s8 =	sadd.s32 $0x800, s7  }
0x166: {  	[hbm4b:s8+s5] =	stream.linear.scatter [tilespmem:s23], [sflag:$0x7], $0x2000, $0x38;
	[tilespmem:$0x18100] =	vst v63  }
0x167: {  	_ =	swait.ge [sflag:s24], $0x2000  }
0x168: {  	[sflag:s24] =	ssyncset.done $0x0  }
0x169: {  	[sflag:s24] =	ssyncadd.s32 $0xFFFFE000  }
0x16a: {  	_ =	swait.ge [sflag:s24], $0x2000  }
0x16b: {  	[sflag:s24] =	ssyncset.done $0x0  }
0x16c: {  	s8 =	simm.s32 @!p0 $0x8;
	[sflag:s24] =	ssyncadd.s32 $0xFFFFE000  }
0x16d: {  	_ =	swait.ge @!p0 [sflag:s8], $0x2000  }
0x16e: {  	[sflag:s8] =	ssyncset.done @!p0 $0x0  }
0x16f: {  	s30 =	simm.s32 $0xC180;
	[sflag:s8] =	ssyncadd.s32 @!p0 $0xFFFFE000  }
0x170: {  	v2 =	vld [tilespmem:s30+$0xFFFFFFF0]  }
0x171: {  	v3 =	vld [tilespmem:s30+$0x70]  }
0x172: {  	v5 =	vld [tilespmem:s30+$0x0]  }
0x173: {  	v4 =	vld [tilespmem:s30+$0xFFFFFF90]  }
0x174: {  	v6 =	vld [tilespmem:s30+$0x10]  }
0x175: {  	v7 =	vld [tilespmem:s30+$0xFFFFFFA0]  }
0x176: {  	v8 =	vld [tilespmem:s30+$0x20]  }
0x177: {  	v9 =	vld [tilespmem:s30+$0xFFFFFFB0]  }
0x178: {  	v10 =	vld [tilespmem:s30+$0x30]  }
0x179: {  	v11 =	vld [tilespmem:s30+$0xFFFFFFC0];
	v2 =	vmul.f32 v2, v0;
	v3 =	vmul.f32 v3, v1  }
0x17a: {  	v13 =	vld [tilespmem:s30+$0x40];
	v12 =	vmul.f32 v4, v0;
	v6 =	vmul.f32 v6, v1  }
0x17b: {  	v7 =	vmul.f32 v7, v0;
	v8 =	vmul.f32 v8, v1;
	v4 =	vld [tilespmem:s30+$0xFFFFFFD0];
	v2 =	vadd.f32 v3, v2  }
0x17c: {  	s15 =	simm.s32 $0x16140;
	v12 =	vadd.f32 v6, v12;
	v3 =	vld [tilespmem:s30+$0x50]  }
0x17d: {  	v9 =	vmul.f32 v9, v0;
	v10 =	vmul.f32 v10, v1;
	v14 =	vadd.f32 v8, v7;
	v6 =	vld [tilespmem:s30+$0xFFFFFFE0];
	[tilespmem:s15+$0x30] =	vst v2  }
0x17e: {  	v7 =	vld [tilespmem:s30+$0x60];
	v8 =	vmul.f32 v11, v0;
	[tilespmem:s15+$0xFFFFFFD0] =	vst v12  }
0x17f: {  	s26 =	simm.s32 $0x0;
	s28 =	simm.s32 $0xC280;
	v9 =	vadd.f32 v10, v9;
	v10 =	vmul.f32 v13, v1;
	v2 =	vmul.f32 v5, v1;
	v5 =	vld [tilespmem:s30+$0xFFFFFF80];
	[tilespmem:s15+$0xFFFFFFE0] =	vst v14  }
.LBB2_43:
0x180: {  	v11 =	vld [tilespmem:s28+$0xFFFFFFF0];
	v4 =	vmul.f32 v4, v0  }
0x181: {  	s26 =	sadd.s32 $0x8, s26;
	v12 =	vld [tilespmem:s28+$0x70];
	[tilespmem:s15+$0xFFFFFFF0] =	vst v9;
	v8 =	vadd.f32 v10, v8;
	v3 =	vmul.f32 v3, v1  }
0x182: {  	p0 =	slt.u32 s26, $0x1F8;
	v9 =	vld [tilespmem:s28+$0x0];
	v6 =	vmul.f32 v6, v0  }
0x183: {  	v10 =	vld [tilespmem:s28+$0xFFFFFF90];
	[tilespmem:s15+$0x0] =	vst v8;
	v3 =	vadd.f32 v3, v4;
	v4 =	vmul.f32 v7, v1  }
0x184: {  	v7 =	vld [tilespmem:s28+$0x10];
	v5 =	vmul.f32 v5, v0  }
0x185: {  	v8 =	vld [tilespmem:s28+$0xFFFFFFA0];
	[tilespmem:s15+$0x10] =	vst v3;
	v3 =	vadd.f32 v4, v6  }
0x186: {  	v6 =	vmul.f32 v11, v0;
	v4 =	vld [tilespmem:s28+$0x20];
	v11 =	vmul.f32 v12, v1;
	v5 =	vadd.f32 v2, v5  }
0x187: {  	v2 =	vmul.f32 v9, v1;
	v9 =	vld [tilespmem:s28+$0xFFFFFFB0];
	[tilespmem:s15+$0x20] =	vst v3  }
0x188: {  	v3 =	vmul.f32 v10, v0;
	v10 =	vld [tilespmem:s28+$0x30];
	v6 =	vadd.f32 v11, v6;
	[tilespmem:s15+$0xFFFFFFC0] =	vst v5  }
0x189: {  	s15 =	sadd.s32 $0x80, s15;
	v5 =	vmul.f32 v7, v1;
	v7 =	vld [tilespmem:s28+$0xFFFFFFC0]  }
0x18a: {  	v8 =	vmul.f32 v8, v0;
	v11 =	vld [tilespmem:s28+$0x40];
	[tilespmem:s15+$0x30] =	vst v6  }
.Ltmp24:
0x18b: {  	v5 =	vadd.f32 v5, v3;
	v6 =	vmul.f32 v4, v1;
	v4 =	vld [tilespmem:s28+$0xFFFFFFD0];
	(pc) =	sbr.rel @p0 .LBB2_43-.Ltmp24, $4  }
0x18c: {  	v9 =	vmul.f32 v9, v0;
	v3 =	vld [tilespmem:s28+$0x50]  }
0x18d: {  	[tilespmem:s15+$0xFFFFFFD0] =	vst v5;
	v12 =	vadd.f32 v6, v8;
	v10 =	vmul.f32 v10, v1;
	v6 =	vld [tilespmem:s28+$0xFFFFFFE0]  }
0x18e: {  	v8 =	vmul.f32 v7, v0;
	v7 =	vld [tilespmem:s28+$0x60]  }
0x18f: {  	v5 =	vld [tilespmem:s28+$0xFFFFFF80];
	[tilespmem:s15+$0xFFFFFFE0] =	vst v12;
	v9 =	vadd.f32 v10, v9;
	v10 =	vmul.f32 v11, v1;
	s28 =	sadd.s32 $0x100, s28  }
0x190: {  	_ =	sdelay $0x1  }
0x191: {  	v4 =	vmul.f32 v4, v0;
	v3 =	vmul.f32 v3, v1  }
0x192: {  	v8 =	vadd.f32 v10, v8;
	v6 =	vmul.f32 v6, v0;
	v7 =	vmul.f32 v7, v1  }
.Ltmp25:
0x193: {  	[tilespmem:s15+$0xFFFFFFF0] =	vst v9;
	v3 =	vadd.f32 v3, v4;
	v62 =	vmul.f32 v5, v0;
	(pc) =	sbr.rel @p1 .LBB2_50-.Ltmp25, $4  }
0x194: {  	[tilespmem:s15+$0x0] =	vst v8;
	v63 =	vadd.f32 v7, v6  }
0x195: {  	[tilespmem:s15+$0x10] =	vst v3;
	v2 =	vadd.f32 v2, v62  }
0x196: {  	[tilespmem:s15+$0x20] =	vst v63  }
0x197: {  	[tilespmem:s15+$0xFFFFFFC0] =	vst v2  }
0x198: {  	s1 =	sadd.s32 s1, s14  }
0x199: {  	s8 =	sadd.s32 s0, s1  }
0x19a: {  	s8 =	sshrl.u32 s8, $0x3  }
0x19b: {  	s26 =	simm.s32 $0xC100;
	s15 =	sadd.s32 s2, s8  }
0x19c: {  	s28 =	simm.s32 $0x80;
	s29 =	simm.s32 $0xC200;
	s8 =	sadd.s32 $0x0, s15  }
.LBB2_46:
0x19d: {  	[tilespmem:s26], [sflag:$0x4] =	stream.linear.gather [hbm4b:s8+s5], $0x80, $0x38;
	[tilespmem:$0x18100] =	vst v63  }
0x19e: {  	s8 =	smov.u32 s28;
	s26 =	smov.u32 s29;
	p0 =	sne.s32 s28, $0x1F80  }
.Ltmp26:
0x19f: {  	s28 =	sadd.s32 $0x80, s28;
	(pc) =	sbr.rel @p0 .LBB2_46-.Ltmp26, $2  }
0x1a0: {  	_ =	sdelay $0x2  }
0x1a1: {  	s29 =	sadd.s32 $0x100, s29;
	s8 =	sadd.s32 s8, s15  }
0x1a2: {  	[tilespmem:s26], [sflag:$0x4] =	stream.linear.gather [hbm4b:s8+s5], $0x80, $0x38;
	[tilespmem:$0x18100] =	vst v63  }
0x1a3: {  	s1 =	sadd.s32 s3, s1  }
0x1a4: {  	s1 =	sshrl.u32 s1, $0x3  }
0x1a5: {  	s15 =	simm.s32 $0xC180;
	s1 =	sadd.s32 s2, s1  }
0x1a6: {  	s26 =	simm.s32 $0x80;
	s28 =	simm.s32 $0xC280;
	s8 =	sadd.s32 $0x0, s1  }
.LBB2_48:
0x1a7: {  	[tilespmem:s15], [sflag:$0x4] =	stream.linear.gather [hbm4b:s8+s5], $0x80, $0x38;
	[tilespmem:$0x18100] =	vst v63  }
0x1a8: {  	s8 =	smov.u32 s26;
	s15 =	smov.u32 s28;
	p0 =	sne.s32 s26, $0x1F80  }
.Ltmp27:
0x1a9: {  	s26 =	sadd.s32 $0x80, s26;
	(pc) =	sbr.rel @p0 .LBB2_48-.Ltmp27, $2  }
0x1aa: {  	_ =	sdelay $0x2  }
0x1ab: {  	s28 =	sadd.s32 $0x100, s28;
	s8 =	sadd.s32 s8, s1  }
.Ltmp28:
0x1ac: {  	(pc) =	sbr.rel .LBB2_50-.Ltmp28, $2  }
0x1ad: {  	_ =	sdelay $0x2  }
0x1ae: {  	[tilespmem:s15], [sflag:$0x4] =	stream.linear.gather [hbm4b:s8+s5], $0x80, $0x38;
	[tilespmem:$0x18100] =	vst v63  }
.LBB2_52:
0x1af: {  	_ =	sfence.sel $0x180000  }
0x1b0: {  	[bflag:$0x0] =	sbarrier.arrive $0xFFFF  }
0x1b1: {  	_ =	strace $0x90000047  }
0x1b2: {  	s0 =	stileid.u32;
	[bflag:$0x2] =	sbarrier.arrive $0xFFFF  }
0x1b3: {  	p0 =	sne.s32 s0, $0x0;
	s0 =	rddreg [dreg:$0x3]  }
0x1b4: {  	s0 =	sadd.s32 @!p0 $0x100000, s0  }
0x1b5: {  	[sflag:s0] =	ssyncadd.tile.s32 @!p0 $0x1;
	_ =	shalt  }
.Lfunc_end2:
_tile_overlayer_lowered:
.L_overlay_start_2:
0x1b6: {  	(tag) =	ssettag $0x2  }
0x1b7: {  	s0 =	rddreg [dreg:$0x0];
	s2 =	stileid.u32  }
0x1b8: {  	s1 =	rddreg [dreg:$0x1];
	p0 =	sne.s32 s2, $0x0  }
0x1b9: {  	s3 =	rddreg [dreg:$0x2];
	[bflag:$0x3] =	sbarrier.arrive $0xFFFF;
	s2 =	simm.s32 @!p0 $0x1C09  }
0x1ba: {  	[timem:s3], [sflag:s2] =	dma.local @!p0 [hbm:s0], s1  }
0x1bb: {  	s0 =	simm.s32 @!p0 $0x9  }
0x1bc: {  	_ =	swait.ge @!p0 [sflag:s0], s1  }
0x1bd: {  	s1 =	ssub.s32 @!p0 $0x0, s1;
	[sflag:s0] =	ssyncset.done @!p0 $0x0  }
0x1be: {  	[sflag:s0] =	ssyncadd.s32 @!p0 s1  }
0x1bf: {  	[bflag:$0x3] =	sbarrier.arrive $0xFFFF  }
0x1c0: {  	_ =	shalt  }

</sc_bundles>
